<compile_context>
chip_gen: v7x
topology: tpu7x:2x2x1
jax: 0.10.2.dev20260603
libtpu: 0.0.44.dev20260713+nightly
codegen_flags: <defaults>
</compile_context>

<pallas_src>
import jax
import jax.numpy as jnp
from jax.experimental import pallas as pl
from jax.experimental.pallas import tpu as pltpu

B, H, W = 4, 640, 640
N_PRED, NC, NT = 20000, 20, 200
CONF_THRES, IOU_THRES = 0.25, 0.45
MAX_DET = 300


def _score_kernel(o_ref, score_ref, cls_ref):
    o = o_ref[0]
    conf = o[4:5, :] * o[5:5 + NC, :]
    best = jnp.max(conf, axis=0, keepdims=True)
    sub = jax.lax.broadcasted_iota(jnp.int32, conf.shape, 0)
    cls = jnp.min(jnp.where(conf >= best, sub, NC), axis=0,
                  keepdims=True)
    score_ref[0] = jnp.where(best > CONF_THRES, best, -1.0)
    cls_ref[0] = cls.astype(jnp.float32)


def _nms_kernel(p_ref, pt_ref, pcc_ref, pcr_ref, ts_ref, tgt_ref, iouv_ref,
                keep_ref, conf_ref, cor_ref, iou_scr):
    si = jax.lax.convert_element_type(pl.program_id(0), jnp.float32)
    p = p_ref[0]
    pt = pt_ref[0]
    pcc = pcc_ref[0]
    pcr = pcr_ref[0]
    ts = ts_ref[0]
    tgt = tgt_ref[...]
    iouv = iouv_ref[...]

    xc, yc, wc, hc = p[:, 0:1], p[:, 1:2], p[:, 2:3], p[:, 3:4]
    x1c, y1c = xc - wc / 2.0, yc - hc / 2.0
    x2c, y2c = xc + wc / 2.0, yc + hc / 2.0
    xr, yr, wr, hr = pt[0:1, :], pt[1:2, :], pt[2:3, :], pt[3:4, :]
    x1r, y1r = xr - wr / 2.0, yr - hr / 2.0
    x2r, y2r = xr + wr / 2.0, yr + hr / 2.0

    offc = pcc * 4096.0
    offr = pcr * 4096.0
    cx1c, cy1c, cx2c, cy2c = x1c + offc, y1c + offc, x2c + offc, y2c + offc
    cx1r, cy1r, cx2r, cy2r = x1r + offr, y1r + offr, x2r + offr, y2r + offr

    area_c = jnp.maximum(cx2c - cx1c, 0.0) * jnp.maximum(cy2c - cy1c, 0.0)
    area_r = jnp.maximum(cx2r - cx1r, 0.0) * jnp.maximum(cy2r - cy1r, 0.0)
    w = jnp.maximum(jnp.minimum(cx2c, cx2r) - jnp.maximum(cx1c, cx1r), 0.0)
    h = jnp.maximum(jnp.minimum(cy2c, cy2r) - jnp.maximum(cy1c, cy1r), 0.0)
    inter = w * h
    iou_scr[...] = inter / (area_c + area_r - inter + 1e-7)

    lane = jax.lax.broadcasted_iota(jnp.int32, (1, MAX_DET), 1)
    keep0 = jnp.where(ts > CONF_THRES, 1.0, 0.0)

    def body(i, keep):
        row = iou_scr[pl.ds(i, 1), :]
        ki = jnp.sum(jnp.where(lane == i, keep, 0.0))
        sup = jnp.where((row > IOU_THRES) & (lane > i), ki, 0.0)
        return keep * (1.0 - sup)

    keep = jax.lax.fori_loop(0, MAX_DET, body, keep0)

    keep_ref[0] = keep
    conf_ref[0] = jnp.where(keep > 0.0, ts, -1.0)

    tx, ty = tgt[:, 2:3] * float(W), tgt[:, 3:4] * float(H)
    tw, th = tgt[:, 4:5] * float(W), tgt[:, 5:6] * float(H)
    tx1, ty1 = tx - tw / 2.0, ty - th / 2.0
    tx2, ty2 = tx + tw / 2.0, ty + th / 2.0
    t_area = jnp.maximum(tx2 - tx1, 0.0) * jnp.maximum(ty2 - ty1, 0.0)
    p_area = jnp.maximum(x2r - x1r, 0.0) * jnp.maximum(y2r - y1r, 0.0)
    w2 = jnp.maximum(jnp.minimum(tx2, x2r) - jnp.maximum(tx1, x1r), 0.0)
    h2 = jnp.maximum(jnp.minimum(ty2, y2r) - jnp.maximum(ty1, y1r), 0.0)
    inter2 = w2 * h2
    iou2 = inter2 / (t_area + p_area - inter2 + 1e-7)
    clsm = jnp.where(tgt[:, 1:2] == pcr, 1.0, 0.0)
    imgm = jnp.where(tgt[:, 0:1] == si, 1.0, 0.0)
    m = iou2 * clsm * imgm
    best = jnp.max(m, axis=0, keepdims=True)
    cor_ref[0] = jnp.where((best > iouv) & (keep > 0.0), 1.0, 0.0)


_NL = B * MAX_DET
_NP = NC * 10
_SHIFTS = (1, 2, 4, 8, 16, 32, 64, 128, 256, 512, 1024)
_EPS_DX = 1.4210854715202004e-14


def _ap_kernel(cor_ref, pcls_ref, valid_ref, clsl_ref, tcls_ref, x_ref,
               ap_ref, p_ref, r_ref, ngt_ref):
    cor = cor_ref[...]
    pclsv = pcls_ref[...]
    validv = valid_ref[...]
    clsl = clsl_ref[...]
    tclsv = tcls_ref[...]

    mask = jnp.where(pclsv == clsl, 1.0, 0.0) * validv
    tp = cor * mask
    fp = (1.0 - cor) * mask

    def csum(m):
        for s in _SHIFTS:
            m = m + jnp.concatenate(
                [jnp.zeros((s, _NP), jnp.float32), m[:-s, :]], axis=0)
        return m

    tpc = csum(tp)
    fpc = csum(fp)
    ngt = jnp.sum(jnp.where(tclsv == clsl, 1.0, 0.0), axis=0, keepdims=True)
    recall = tpc / (ngt + 1e-9)
    precision = tpc / (tpc + fpc + 1e-9)

    one = jnp.ones((1, _NP), jnp.float32)
    zero = jnp.zeros((1, _NP), jnp.float32)
    mrec = jnp.concatenate([zero, recall, one], axis=0)
    mpre = jnp.concatenate([one, precision, zero], axis=0)
    for s in _SHIFTS:
        mpre = jnp.maximum(mpre, jnp.concatenate(
            [mpre[s:, :], jnp.zeros((s, _NP), jnp.float32)], axis=0))

    sub2 = jax.lax.broadcasted_iota(jnp.int32, (_NL + 2, _NP), 0)

    def yat(xq):
        cnt = jnp.sum(jnp.where(mrec <= xq, 1, 0), axis=0, keepdims=True)
        i = jnp.clip(cnt, 1, _NL + 1)
        ohi = sub2 == i
        ohm = sub2 == (i - 1)
        fpi = jnp.sum(jnp.where(ohi, mpre, 0.0), axis=0, keepdims=True)
        fpm = jnp.sum(jnp.where(ohm, mpre, 0.0), axis=0, keepdims=True)
        xpi = jnp.sum(jnp.where(ohi, mrec, 0.0), axis=0, keepdims=True)
        xpm = jnp.sum(jnp.where(ohm, mrec, 0.0), axis=0, keepdims=True)
        df = fpi - fpm
        dx = xpi - xpm
        delta = xq - xpm
        dx0 = jnp.abs(dx) <= _EPS_DX
        return jnp.where(dx0, fpm, fpm + (delta / jnp.where(dx0, 1.0, dx)) * df)

    y0 = yat(x_ref[0])

    def body(q, carry):
        prev, acc = carry
        xq = x_ref[q]
        xqm = x_ref[q - 1]
        y = yat(xq)
        return (y, acc + (y + prev) * 0.5 * (xq - xqm))

    _, ap = jax.lax.fori_loop(1, 101, body, (y0, jnp.zeros((1, _NP))))

    f1 = 2 * precision * recall / (precision + recall + 1e-9)
    fmax = jnp.max(f1, axis=0, keepdims=True)
    subn = jax.lax.broadcasted_iota(jnp.int32, (_NL, _NP), 0)
    bi = jnp.min(jnp.where(f1 == fmax, subn, _NL), axis=0,
                 keepdims=True)
    ohb = subn == bi
    ap_ref[...] = ap
    p_ref[...] = jnp.sum(jnp.where(ohb, precision, 0.0), axis=0, keepdims=True)
    r_ref[...] = jnp.sum(jnp.where(ohb, recall, 0.0), axis=0, keepdims=True)
    ngt_ref[...] = ngt


def kernel(imgs, targets, out, shapes):
    iouv = jnp.linspace(0.5, 0.95, 10)
    iouv_col = iouv.reshape(10, 1)

    outT = jnp.swapaxes(out, 1, 2)
    score, cls = pl.pallas_call(
        _score_kernel,
        grid=(B,),
        in_specs=[pl.BlockSpec((1, 5 + NC, N_PRED), lambda i: (i, 0, 0))],
        out_specs=[pl.BlockSpec((1, 1, N_PRED), lambda i: (i, 0, 0)),
                   pl.BlockSpec((1, 1, N_PRED), lambda i: (i, 0, 0))],
        out_shape=[jax.ShapeDtypeStruct((B, 1, N_PRED), jnp.float32),
                   jax.ShapeDtypeStruct((B, 1, N_PRED), jnp.float32)],
    )(outT)
    score = score[:, 0, :]
    cls = cls[:, 0, :]

    top_s, top_i = jax.lax.top_k(score, MAX_DET)
    pxywh = jnp.take_along_axis(out[:, :, :4], top_i[..., None], axis=1)
    pc = jnp.take_along_axis(cls, top_i, axis=1)
    pt = jnp.swapaxes(pxywh, 1, 2)

    keep, confo, cor = pl.pallas_call(
        _nms_kernel,
        grid=(B,),
        in_specs=[
            pl.BlockSpec((1, MAX_DET, 4), lambda i: (i, 0, 0)),
            pl.BlockSpec((1, 4, MAX_DET), lambda i: (i, 0, 0)),
            pl.BlockSpec((1, MAX_DET, 1), lambda i: (i, 0, 0)),
            pl.BlockSpec((1, 1, MAX_DET), lambda i: (i, 0, 0)),
            pl.BlockSpec((1, 1, MAX_DET), lambda i: (i, 0, 0)),
            pl.BlockSpec((NT, 6), lambda i: (0, 0)),
            pl.BlockSpec((10, 1), lambda i: (0, 0)),
        ],
        out_specs=[
            pl.BlockSpec((1, 1, MAX_DET), lambda i: (i, 0, 0)),
            pl.BlockSpec((1, 1, MAX_DET), lambda i: (i, 0, 0)),
            pl.BlockSpec((1, 10, MAX_DET), lambda i: (i, 0, 0)),
        ],
        out_shape=[
            jax.ShapeDtypeStruct((B, 1, MAX_DET), jnp.float32),
            jax.ShapeDtypeStruct((B, 1, MAX_DET), jnp.float32),
            jax.ShapeDtypeStruct((B, 10, MAX_DET), jnp.float32),
        ],
        scratch_shapes=[pltpu.VMEM((MAX_DET, MAX_DET), jnp.float32)],
    )(pxywh, pt, pc[..., None], pc[:, None, :], top_s[:, None, :],
      targets, iouv_col)

    conf = confo.reshape(_NL)
    pcls = pc.reshape(_NL)
    keepf = keep.reshape(_NL)
    correct = jnp.swapaxes(cor, 1, 2).reshape(_NL, 10)

    order = jnp.argsort(-conf)
    cor_s = jnp.tile(correct[order], (1, NC))
    pcls_s = pcls[order].reshape(_NL, 1)
    valid_s = keepf[order].reshape(_NL, 1)
    cls_lane = (jnp.arange(_NP) // 10).astype(jnp.float32).reshape(1, _NP)
    tcls_col = targets[:, 1].reshape(NT, 1)
    x101 = jnp.linspace(0.0, 1.0, 101)

    ap_l, p_l, r_l, ngt_l = pl.pallas_call(
        _ap_kernel,
        in_specs=[
            pl.BlockSpec((_NL, _NP), lambda: (0, 0)),
            pl.BlockSpec((_NL, 1), lambda: (0, 0)),
            pl.BlockSpec((_NL, 1), lambda: (0, 0)),
            pl.BlockSpec((1, _NP), lambda: (0, 0)),
            pl.BlockSpec((NT, 1), lambda: (0, 0)),
            pl.BlockSpec(memory_space=pltpu.SMEM),
        ],
        out_specs=[
            pl.BlockSpec((1, _NP), lambda: (0, 0)),
            pl.BlockSpec((1, _NP), lambda: (0, 0)),
            pl.BlockSpec((1, _NP), lambda: (0, 0)),
            pl.BlockSpec((1, _NP), lambda: (0, 0)),
        ],
        out_shape=[jax.ShapeDtypeStruct((1, _NP), jnp.float32)] * 4,
    )(cor_s, pcls_s, valid_s, cls_lane, tcls_col, x101)

    ap2 = ap_l.reshape(NC, 10)
    p = p_l.reshape(NC, 10)[:, 0]
    r = r_l.reshape(NC, 10)[:, 0]
    n_gt = ngt_l.reshape(NC, 10)[:, 0]
    ap50 = ap2[:, 0]
    ap = jnp.mean(ap2, axis=1)
    has = (n_gt > 0).astype(jnp.float32)
    denom = jnp.maximum(jnp.sum(has), 1.0)
    mp = jnp.sum(p * has) / denom
    mr = jnp.sum(r * has) / denom
    map50 = jnp.sum(ap50 * has) / denom
    mapv = jnp.sum(ap * has) / denom
    fi = 0.1 * map50 + 0.9 * mapv
    return jnp.stack([fi, mp, mr, map50, mapv])

# --- scband reference (transcript-rebuilt; emitter-appended) ---
"""Pipeline reference for scband-callm-ap-3289944949030 (READ-ONLY COPY).

The authoritative reference and input builder live on the scoring server;
editing this copy changes nothing except your own understanding.
"""

import jax, jax.numpy as jnp
import numpy as np

B, H, W = 4, 640, 640
N_PRED, NC, NT = 20000, 20, 200
CONF_THRES, IOU_THRES = 0.25, 0.45
MAX_DET = 300


def xywh2xyxy(x):
    xy = x[..., :2]
    wh = x[..., 2:4]
    return jnp.concatenate([xy - wh / 2.0, xy + wh / 2.0], axis=-1)


def box_iou(a, b):
    area_a = jnp.clip(a[:, 2] - a[:, 0], 0) * jnp.clip(a[:, 3] - a[:, 1], 0)
    area_b = jnp.clip(b[:, 2] - b[:, 0], 0) * jnp.clip(b[:, 3] - b[:, 1], 0)
    lt = jnp.maximum(a[:, None, :2], b[None, :, :2])
    rb = jnp.minimum(a[:, None, 2:4], b[None, :, 2:4])
    wh = jnp.clip(rb - lt, 0)
    inter = wh[..., 0] * wh[..., 1]
    return inter / (area_a[:, None] + area_b[None, :] - inter + 1e-7)


def _nms_single(pred):
    boxes = xywh2xyxy(pred[:, :4])
    conf = pred[:, 4:5] * pred[:, 5:]
    best_conf = jnp.max(conf, axis=1)
    best_cls = jnp.argmax(conf, axis=1).astype(jnp.float32)
    score = jnp.where(best_conf > CONF_THRES, best_conf, -1.0)
    top_s, top_i = jax.lax.top_k(score, MAX_DET)
    pb = boxes[top_i]
    pc = best_cls[top_i]
    cb = pb + pc[:, None] * 4096.0
    iou = box_iou(cb, cb)
    keep0 = top_s > CONF_THRES
    idx = jnp.arange(MAX_DET)

    def body(i, keep):
        sup = (iou[i] > IOU_THRES) & (idx > i) & keep[i]
        return keep & (~sup)

    keep = jax.lax.fori_loop(0, MAX_DET, body, keep0)
    return pb, top_s, pc, keep


def _forward(imgs, targets, out, shapes):
    height, width = imgs.shape[2], imgs.shape[3]
    iouv = jnp.linspace(0.5, 0.95, 10)
    gain = jnp.array([width, height, width, height], dtype=jnp.float32)
    tbox = xywh2xyxy(targets[:, 2:6] * gain)
    tcls = targets[:, 1]
    timg = targets[:, 0]
    corrects, confs, pclss, valids = [], [], [], []
    for si in range(out.shape[0]):
        pb, psc, pc, keep = _nms_single(out[si])
        lmask = (timg == si)
        m = box_iou(pb, tbox) * (pc[:, None] == tcls[None, :]) * lmask[None, :]
        best_iou = jnp.max(m, axis=1)
        correct = (best_iou[:, None] > iouv[None, :]) & keep[:, None]
        corrects.append(correct)
        confs.append(jnp.where(keep, psc, -1.0))
        pclss.append(pc)
        valids.append(keep)
    correct = jnp.concatenate(corrects, 0)
    conf = jnp.concatenate(confs, 0)
    pcls = jnp.concatenate(pclss, 0)
    valid = jnp.concatenate(valids, 0)
    order = jnp.argsort(-conf)
    correct = correct[order]
    pcls = pcls[order]
    valid = valid[order]
    n_gt = jnp.sum(tcls[None, :] == jnp.arange(NC, dtype=jnp.float32)[:, None], axis=1)
    eps = 1e-9
    x101 = jnp.linspace(0.0, 1.0, 101)

    def ap_one(rec, prec):
        mrec = jnp.concatenate([jnp.array([0.0]), rec, jnp.array([1.0])])
        mpre = jnp.concatenate([jnp.array([1.0]), prec, jnp.array([0.0])])
        mpre = jnp.flip(jax.lax.cummax(jnp.flip(mpre)))
        interp = jnp.interp(x101, mrec, mpre)
        return jnp.sum((interp[1:] + interp[:-1]) * 0.5 * (x101[1:] - x101[:-1]))

    ps, rs, ap50s, aps = [], [], [], []
    for c in range(NC):
        mask = (pcls == c) & valid
        tp = (correct & mask[:, None]).astype(jnp.float32)
        fp = ((~correct) & mask[:, None]).astype(jnp.float32)
        tpc = jnp.cumsum(tp, axis=0)
        fpc = jnp.cumsum(fp, axis=0)
        recall = tpc / (n_gt[c] + eps)
        precision = tpc / (tpc + fpc + eps)
        ap_c = jax.vmap(ap_one, in_axes=(1, 1))(recall, precision)
        f1 = 2 * precision[:, 0] * recall[:, 0] / (precision[:, 0] + recall[:, 0] + eps)
        bi = jnp.argmax(f1)
        ps.append(precision[bi, 0])
        rs.append(recall[bi, 0])
        ap50s.append(ap_c[0])
        aps.append(jnp.mean(ap_c))
    p = jnp.stack(ps)
    r = jnp.stack(rs)
    ap50 = jnp.stack(ap50s)
    ap = jnp.stack(aps)
    has = (n_gt > 0).astype(jnp.float32)
    denom = jnp.maximum(jnp.sum(has), 1.0)
    mp = jnp.sum(p * has) / denom
    mr = jnp.sum(r * has) / denom
    map50 = jnp.sum(ap50 * has) / denom
    mapv = jnp.sum(ap * has) / denom
    fi = 0.1 * map50 + 0.9 * mapv
    return jnp.stack([fi, mp, mr, map50, mapv])


def setup_inputs(seed: int = 0) -> dict:
    key = jax.random.key(seed)
    k1, k2, k3, k4, k5 = jax.random.split(key, 5)
    imgs = jax.random.normal(k1, (B, 3, H, W), dtype=jnp.float32)
    img_idx = jax.random.randint(k2, (NT,), 0, B).astype(jnp.float32)
    cls = jax.random.randint(k3, (NT,), 0, NC).astype(jnp.float32)
    cxy = jax.random.uniform(k4, (NT, 2), minval=0.2, maxval=0.8)
    wh = jax.random.uniform(jax.random.fold_in(k4, 1), (NT, 2), minval=0.05, maxval=0.3)
    targets = jnp.concatenate([img_idx[:, None], cls[:, None], cxy, wh], axis=1)
    out = jax.random.uniform(k5, (B, N_PRED, 5 + NC), dtype=jnp.float32)
    out = out.at[:, :, 0:2].multiply(float(W))
    out = out.at[:, :, 2:4].multiply(float(W) * 0.2)
    shapes = jnp.tile(jnp.array([[float(H), float(W)]], dtype=jnp.float32), (B, 1))
    return {"imgs": imgs, "targets": targets, "out": out, "shapes": shapes}


def reference(imgs, targets, out, shapes):
    return _forward(imgs, targets, out, shapes)

if __name__ == "__main__":
    import jax
    _d = setup_inputs()
    print(jax.jit(kernel)(*tuple(_d.values())))

</pallas_src>

<mosaic_0001>
module attributes {stable_mosaic.version = 14 : i64} {
  func.func @_score_kernel(%arg0: i32, %arg1: memref<1x25x20000xf32, #tpu.memory_space<vmem>>, %arg2: memref<1x1x20000xf32, #tpu.memory_space<vmem>>, %arg3: memref<1x1x20000xf32, #tpu.memory_space<vmem>>) attributes {dimension_semantics = [#tpu.dimension_semantics<arbitrary>], iteration_bounds = array<i64: 4>, scalar_prefetch = 0 : i64, scratch_operands = 0 : i64, tpu.core_type = #tpu.core_type<tc>, window_params = [{transform_indices = @transform_0, window_bounds = array<i64: 1, 25, 20000>}, {transform_indices = @transform_1, window_bounds = array<i64: 1, 1, 20000>}, {transform_indices = @transform_2, window_bounds = array<i64: 1, 1, 20000>}]} {
    %get3A = arith.constant 0 : index
    %get3A_0 = arith.constant 0 : index
    %get3A_1 = arith.constant 0 : index
    %get3A_2 = vector.load %arg1[%get3A, %get3A_0, %get3A_1] : memref<1x25x20000xf32, #tpu.memory_space<vmem>>, vector<1x25x20000xf32>
    %get3A_3 = vector.shape_cast %get3A_2 : vector<1x25x20000xf32> to vector<25x20000xf32>
    %slice3A = vector.extract_strided_slice %get3A_3 {offsets = [4, 0], sizes = [1, 20000], strides = [1, 1]} : vector<25x20000xf32> to vector<1x20000xf32>
    %slice3A_4 = vector.extract_strided_slice %get3A_3 {offsets = [5, 0], sizes = [20, 20000], strides = [1, 1]} : vector<25x20000xf32> to vector<20x20000xf32>
    %mul3A = vector.broadcast %slice3A : vector<1x20000xf32> to vector<20x20000xf32>
    %mul3A_5 = arith.mulf %mul3A, %slice3A_4 : vector<20x20000xf32>
    %reduce_max3A = arith.constant dense<0xFF800000> : vector<20000xf32>
    %reduce_max3A_6 = vector.multi_reduction <maximumf>, %mul3A_5, %reduce_max3A [0] : vector<20x20000xf32> to vector<20000xf32>
    %broadcast_in_dim3A = vector.shape_cast %reduce_max3A_6 : vector<20000xf32> to vector<1x20000xf32>
    %iota3A = tpu.iota {dimensions = array<i32: 0>} : vector<20x20000xi32>
    %ge3A = vector.broadcast %broadcast_in_dim3A : vector<1x20000xf32> to vector<20x20000xf32>
    %ge3A_7 = arith.cmpf oge, %mul3A_5, %ge3A : vector<20x20000xf32>
    %jit3A = arith.constant 20 : i32
    %broadcast_in_dim3A_8 = vector.broadcast %jit3A : i32 to vector<20x20000xi32>
    %select_n3A = arith.select %ge3A_7, %iota3A, %broadcast_in_dim3A_8 : vector<20x20000xi1>, vector<20x20000xi32>
    %reduce_min3A = arith.constant dense<2147483647> : vector<20000xi32>
    %reduce_min3A_9 = vector.multi_reduction <minsi>, %select_n3A, %reduce_min3A [0] : vector<20x20000xi32> to vector<20000xi32>
    %broadcast_in_dim3A_10 = vector.shape_cast %reduce_min3A_9 : vector<20000xi32> to vector<1x20000xi32>
    %gt3A = arith.constant 2.500000e-01 : f32
    %gt3A_11 = vector.broadcast %gt3A : f32 to vector<1x20000xf32>
    %gt3A_12 = arith.cmpf ogt, %broadcast_in_dim3A, %gt3A_11 : vector<1x20000xf32>
    %jit3A_13 = arith.constant -1.000000e+00 : f32
    %broadcast_in_dim3A_14 = vector.broadcast %jit3A_13 : f32 to vector<1x20000xf32>
    %select_n3A_15 = arith.select %gt3A_12, %broadcast_in_dim3A, %broadcast_in_dim3A_14 : vector<1x20000xi1>, vector<1x20000xf32>
    %swap3A = arith.constant 0 : index
    %swap3A_16 = arith.constant 0 : index
    %swap3A_17 = arith.constant 0 : index
    %swap3A_18 = vector.load %arg2[%swap3A, %swap3A_16, %swap3A_17] : memref<1x1x20000xf32, #tpu.memory_space<vmem>>, vector<1x1x20000xf32>
    %swap3A_19 = vector.shape_cast %swap3A_18 : vector<1x1x20000xf32> to vector<1x20000xf32>
    %swap3A_20 = vector.shape_cast %select_n3A_15 : vector<1x20000xf32> to vector<1x1x20000xf32>
    tpu.vector_store %arg2[%swap3A, %swap3A_16, %swap3A_17], %swap3A_20 {strides = array<i32>} : memref<1x1x20000xf32, #tpu.memory_space<vmem>>, vector<1x1x20000xf32>,
    %convert_element_type3A = arith.sitofp %broadcast_in_dim3A_10 : vector<1x20000xi32> to vector<1x20000xf32>
    %swap3A_21 = arith.constant 0 : index
    %swap3A_22 = arith.constant 0 : index
    %swap3A_23 = arith.constant 0 : index
    %swap3A_24 = vector.load %arg3[%swap3A_21, %swap3A_22, %swap3A_23] : memref<1x1x20000xf32, #tpu.memory_space<vmem>>, vector<1x1x20000xf32>
    %swap3A_25 = vector.shape_cast %swap3A_24 : vector<1x1x20000xf32> to vector<1x20000xf32>
    %swap3A_26 = vector.shape_cast %convert_element_type3A : vector<1x20000xf32> to vector<1x1x20000xf32>
    tpu.vector_store %arg3[%swap3A_21, %swap3A_22, %swap3A_23], %swap3A_26 {strides = array<i32>} : memref<1x1x20000xf32, #tpu.memory_space<vmem>>, vector<1x1x20000xf32>,
    return
  }
  func.func @transform_0(%arg0: i32) -> (i32, i32, i32) {
    %c0_i32 = arith.constant 0 : i32
    %c0_i32_0 = arith.constant 0 : i32
    %c0_i32_1 = arith.constant 0 : i32
    return %arg0, %c0_i32, %c0_i32_0 : i32, i32, i32
  }
  func.func @transform_1(%arg0: i32) -> (i32, i32, i32) {
    %c0_i32 = arith.constant 0 : i32
    %c0_i32_0 = arith.constant 0 : i32
    %c0_i32_1 = arith.constant 0 : i32
    return %arg0, %c0_i32, %c0_i32_0 : i32, i32, i32
  }
  func.func @transform_2(%arg0: i32) -> (i32, i32, i32) {
    %c0_i32 = arith.constant 0 : i32
    %c0_i32_0 = arith.constant 0 : i32
    %c0_i32_1 = arith.constant 0 : i32
    return %arg0, %c0_i32, %c0_i32_0 : i32, i32, i32
  }
}

module attributes {stable_mosaic.version = 14 : i64} {
  func.func @_nms_kernel(%arg0: i32, %arg1: memref<1x300x4xf32, #tpu.memory_space<vmem>>, %arg2: memref<1x4x300xf32, #tpu.memory_space<vmem>>, %arg3: memref<1x300x1xf32, #tpu.memory_space<vmem>>, %arg4: memref<1x1x300xf32, #tpu.memory_space<vmem>>, %arg5: memref<1x1x300xf32, #tpu.memory_space<vmem>>, %arg6: memref<200x6xf32, #tpu.memory_space<vmem>>, %arg7: memref<10x1xf32, #tpu.memory_space<vmem>>, %arg8: memref<1x1x300xf32, #tpu.memory_space<vmem>>, %arg9: memref<1x1x300xf32, #tpu.memory_space<vmem>>, %arg10: memref<1x10x300xf32, #tpu.memory_space<vmem>>, %arg11: memref<300x300xf32, #tpu.memory_space<vmem>>) attributes {dimension_semantics = [#tpu.dimension_semantics<arbitrary>], iteration_bounds = array<i64: 4>, scalar_prefetch = 0 : i64, scratch_operands = 1 : i64, tpu.core_type = #tpu.core_type<tc>, window_params = [{transform_indices = @transform_0, window_bounds = array<i64: 1, 300, 4>}, {transform_indices = @transform_1, window_bounds = array<i64: 1, 4, 300>}, {transform_indices = @transform_2, window_bounds = array<i64: 1, 300, 1>}, {transform_indices = @transform_3, window_bounds = array<i64: 1, 1, 300>}, {transform_indices = @transform_4, window_bounds = array<i64: 1, 1, 300>}, {pipeline_mode = #tpu.pipeline_mode<synchronous>, transform_indices = @transform_5, window_bounds = array<i64: 200, 6>}, {pipeline_mode = #tpu.pipeline_mode<synchronous>, transform_indices = @transform_6, window_bounds = array<i64: 10, 1>}, {transform_indices = @transform_7, window_bounds = array<i64: 1, 1, 300>}, {transform_indices = @transform_8, window_bounds = array<i64: 1, 1, 300>}, {transform_indices = @transform_9, window_bounds = array<i64: 1, 10, 300>}]} {
    %convert_element_type3A = arith.sitofp %arg0 : i32 to f32
    %get3A = arith.constant 0 : index
    %get3A_0 = arith.constant 0 : index
    %get3A_1 = arith.constant 0 : index
    %get3A_2 = vector.load %arg1[%get3A, %get3A_0, %get3A_1] : memref<1x300x4xf32, #tpu.memory_space<vmem>>, vector<1x300x4xf32>
    %get3A_3 = vector.shape_cast %get3A_2 : vector<1x300x4xf32> to vector<300x4xf32>
    %get3A_4 = arith.constant 0 : index
    %get3A_5 = arith.constant 0 : index
    %get3A_6 = arith.constant 0 : index
    %get3A_7 = vector.load %arg2[%get3A_4, %get3A_5, %get3A_6] : memref<1x4x300xf32, #tpu.memory_space<vmem>>, vector<1x4x300xf32>
    %get3A_8 = vector.shape_cast %get3A_7 : vector<1x4x300xf32> to vector<4x300xf32>
    %get3A_9 = arith.constant 0 : index
    %get3A_10 = arith.constant 0 : index
    %get3A_11 = arith.constant 0 : index
    %get3A_12 = vector.load %arg3[%get3A_9, %get3A_10, %get3A_11] : memref<1x300x1xf32, #tpu.memory_space<vmem>>, vector<1x300x1xf32>
    %get3A_13 = vector.shape_cast %get3A_12 : vector<1x300x1xf32> to vector<300x1xf32>
    %get3A_14 = arith.constant 0 : index
    %get3A_15 = arith.constant 0 : index
    %get3A_16 = arith.constant 0 : index
    %get3A_17 = vector.load %arg4[%get3A_14, %get3A_15, %get3A_16] : memref<1x1x300xf32, #tpu.memory_space<vmem>>, vector<1x1x300xf32>
    %get3A_18 = vector.shape_cast %get3A_17 : vector<1x1x300xf32> to vector<1x300xf32>
    %get3A_19 = arith.constant 0 : index
    %get3A_20 = arith.constant 0 : index
    %get3A_21 = arith.constant 0 : index
    %get3A_22 = vector.load %arg5[%get3A_19, %get3A_20, %get3A_21] : memref<1x1x300xf32, #tpu.memory_space<vmem>>, vector<1x1x300xf32>
    %get3A_23 = vector.shape_cast %get3A_22 : vector<1x1x300xf32> to vector<1x300xf32>
    %get3A_24 = arith.constant 0 : index
    %get3A_25 = arith.constant 0 : index
    %get3A_26 = vector.load %arg6[%get3A_24, %get3A_25] : memref<200x6xf32, #tpu.memory_space<vmem>>, vector<200x6xf32>
    %get3A_27 = arith.constant 0 : index
    %get3A_28 = arith.constant 0 : index
    %get3A_29 = vector.load %arg7[%get3A_27, %get3A_28] : memref<10x1xf32, #tpu.memory_space<vmem>>, vector<10x1xf32>
    %slice3A = vector.extract_strided_slice %get3A_3 {offsets = [0, 0], sizes = [300, 1], strides = [1, 1]} : vector<300x4xf32> to vector<300x1xf32>
    %slice3A_30 = vector.extract_strided_slice %get3A_3 {offsets = [0, 1], sizes = [300, 1], strides = [1, 1]} : vector<300x4xf32> to vector<300x1xf32>
    %slice3A_31 = vector.extract_strided_slice %get3A_3 {offsets = [0, 2], sizes = [300, 1], strides = [1, 1]} : vector<300x4xf32> to vector<300x1xf32>
    %slice3A_32 = vector.extract_strided_slice %get3A_3 {offsets = [0, 3], sizes = [300, 1], strides = [1, 1]} : vector<300x4xf32> to vector<300x1xf32>
    %div3A = arith.constant 2.000000e+00 : f32
    %div3A_33 = vector.broadcast %div3A : f32 to vector<300x1xf32>
    %div3A_34 = arith.divf %slice3A_31, %div3A_33 : vector<300x1xf32>
    %sub3A = arith.subf %slice3A, %div3A_34 : vector<300x1xf32>
    %div3A_35 = arith.constant 2.000000e+00 : f32
    %div3A_36 = vector.broadcast %div3A_35 : f32 to vector<300x1xf32>
    %div3A_37 = arith.divf %slice3A_32, %div3A_36 : vector<300x1xf32>
    %sub3A_38 = arith.subf %slice3A_30, %div3A_37 : vector<300x1xf32>
    %div3A_39 = arith.constant 2.000000e+00 : f32
    %div3A_40 = vector.broadcast %div3A_39 : f32 to vector<300x1xf32>
    %div3A_41 = arith.divf %slice3A_31, %div3A_40 : vector<300x1xf32>
    %add3A = arith.addf %slice3A, %div3A_41 : vector<300x1xf32>
    %div3A_42 = arith.constant 2.000000e+00 : f32
    %div3A_43 = vector.broadcast %div3A_42 : f32 to vector<300x1xf32>
    %div3A_44 = arith.divf %slice3A_32, %div3A_43 : vector<300x1xf32>
    %add3A_45 = arith.addf %slice3A_30, %div3A_44 : vector<300x1xf32>
    %slice3A_46 = vector.extract_strided_slice %get3A_8 {offsets = [0, 0], sizes = [1, 300], strides = [1, 1]} : vector<4x300xf32> to vector<1x300xf32>
    %slice3A_47 = vector.extract_strided_slice %get3A_8 {offsets = [1, 0], sizes = [1, 300], strides = [1, 1]} : vector<4x300xf32> to vector<1x300xf32>
    %slice3A_48 = vector.extract_strided_slice %get3A_8 {offsets = [2, 0], sizes = [1, 300], strides = [1, 1]} : vector<4x300xf32> to vector<1x300xf32>
    %slice3A_49 = vector.extract_strided_slice %get3A_8 {offsets = [3, 0], sizes = [1, 300], strides = [1, 1]} : vector<4x300xf32> to vector<1x300xf32>
    %div3A_50 = arith.constant 2.000000e+00 : f32
    %div3A_51 = vector.broadcast %div3A_50 : f32 to vector<1x300xf32>
    %div3A_52 = arith.divf %slice3A_48, %div3A_51 : vector<1x300xf32>
    %sub3A_53 = arith.subf %slice3A_46, %div3A_52 : vector<1x300xf32>
    %div3A_54 = arith.constant 2.000000e+00 : f32
    %div3A_55 = vector.broadcast %div3A_54 : f32 to vector<1x300xf32>
    %div3A_56 = arith.divf %slice3A_49, %div3A_55 : vector<1x300xf32>
    %sub3A_57 = arith.subf %slice3A_47, %div3A_56 : vector<1x300xf32>
    %div3A_58 = arith.constant 2.000000e+00 : f32
    %div3A_59 = vector.broadcast %div3A_58 : f32 to vector<1x300xf32>
    %div3A_60 = arith.divf %slice3A_48, %div3A_59 : vector<1x300xf32>
    %add3A_61 = arith.addf %slice3A_46, %div3A_60 : vector<1x300xf32>
    %div3A_62 = arith.constant 2.000000e+00 : f32
    %div3A_63 = vector.broadcast %div3A_62 : f32 to vector<1x300xf32>
    %div3A_64 = arith.divf %slice3A_49, %div3A_63 : vector<1x300xf32>
    %add3A_65 = arith.addf %slice3A_47, %div3A_64 : vector<1x300xf32>
    %mul3A = arith.constant 4.096000e+03 : f32
    %mul3A_66 = vector.broadcast %mul3A : f32 to vector<300x1xf32>
    %mul3A_67 = arith.mulf %get3A_13, %mul3A_66 : vector<300x1xf32>
    %mul3A_68 = arith.constant 4.096000e+03 : f32
    %mul3A_69 = vector.broadcast %mul3A_68 : f32 to vector<1x300xf32>
    %mul3A_70 = arith.mulf %get3A_18, %mul3A_69 : vector<1x300xf32>
    %add3A_71 = arith.addf %sub3A, %mul3A_67 : vector<300x1xf32>
    %add3A_72 = arith.addf %sub3A_38, %mul3A_67 : vector<300x1xf32>
    %add3A_73 = arith.addf %add3A, %mul3A_67 : vector<300x1xf32>
    %add3A_74 = arith.addf %add3A_45, %mul3A_67 : vector<300x1xf32>
    %add3A_75 = arith.addf %sub3A_53, %mul3A_70 : vector<1x300xf32>
    %add3A_76 = arith.addf %sub3A_57, %mul3A_70 : vector<1x300xf32>
    %add3A_77 = arith.addf %add3A_61, %mul3A_70 : vector<1x300xf32>
    %add3A_78 = arith.addf %add3A_65, %mul3A_70 : vector<1x300xf32>
    %sub3A_79 = arith.subf %add3A_73, %add3A_71 : vector<300x1xf32>
    %max3A = arith.constant 0.000000e+00 : f32
    %max3A_80 = vector.broadcast %max3A : f32 to vector<300x1xf32>
    %max3A_81 = arith.maximumf %sub3A_79, %max3A_80 : vector<300x1xf32>
    %sub3A_82 = arith.subf %add3A_74, %add3A_72 : vector<300x1xf32>
    %max3A_83 = arith.constant 0.000000e+00 : f32
    %max3A_84 = vector.broadcast %max3A_83 : f32 to vector<300x1xf32>
    %max3A_85 = arith.maximumf %sub3A_82, %max3A_84 : vector<300x1xf32>
    %mul3A_86 = arith.mulf %max3A_81, %max3A_85 : vector<300x1xf32>
    %sub3A_87 = arith.subf %add3A_77, %add3A_75 : vector<1x300xf32>
    %max3A_88 = arith.constant 0.000000e+00 : f32
    %max3A_89 = vector.broadcast %max3A_88 : f32 to vector<1x300xf32>
    %max3A_90 = arith.maximumf %sub3A_87, %max3A_89 : vector<1x300xf32>
    %sub3A_91 = arith.subf %add3A_78, %add3A_76 : vector<1x300xf32>
    %max3A_92 = arith.constant 0.000000e+00 : f32
    %max3A_93 = vector.broadcast %max3A_92 : f32 to vector<1x300xf32>
    %max3A_94 = arith.maximumf %sub3A_91, %max3A_93 : vector<1x300xf32>
    %mul3A_95 = arith.mulf %max3A_90, %max3A_94 : vector<1x300xf32>
    %min3A = vector.broadcast %add3A_73 : vector<300x1xf32> to vector<300x300xf32>
    %min3A_96 = vector.broadcast %add3A_77 : vector<1x300xf32> to vector<300x300xf32>
    %min3A_97 = arith.minimumf %min3A, %min3A_96 : vector<300x300xf32>
    %max3A_98 = vector.broadcast %add3A_71 : vector<300x1xf32> to vector<300x300xf32>
    %max3A_99 = vector.broadcast %add3A_75 : vector<1x300xf32> to vector<300x300xf32>
    %max3A_100 = arith.maximumf %max3A_98, %max3A_99 : vector<300x300xf32>
    %sub3A_101 = arith.subf %min3A_97, %max3A_100 : vector<300x300xf32>
    %max3A_102 = arith.constant 0.000000e+00 : f32
    %max3A_103 = vector.broadcast %max3A_102 : f32 to vector<300x300xf32>
    %max3A_104 = arith.maximumf %sub3A_101, %max3A_103 : vector<300x300xf32>
    %min3A_105 = vector.broadcast %add3A_74 : vector<300x1xf32> to vector<300x300xf32>
    %min3A_106 = vector.broadcast %add3A_78 : vector<1x300xf32> to vector<300x300xf32>
    %min3A_107 = arith.minimumf %min3A_105, %min3A_106 : vector<300x300xf32>
    %max3A_108 = vector.broadcast %add3A_72 : vector<300x1xf32> to vector<300x300xf32>
    %max3A_109 = vector.broadcast %add3A_76 : vector<1x300xf32> to vector<300x300xf32>
    %max3A_110 = arith.maximumf %max3A_108, %max3A_109 : vector<300x300xf32>
    %sub3A_111 = arith.subf %min3A_107, %max3A_110 : vector<300x300xf32>
    %max3A_112 = arith.constant 0.000000e+00 : f32
    %max3A_113 = vector.broadcast %max3A_112 : f32 to vector<300x300xf32>
    %max3A_114 = arith.maximumf %sub3A_111, %max3A_113 : vector<300x300xf32>
    %mul3A_115 = arith.mulf %max3A_104, %max3A_114 : vector<300x300xf32>
    %add3A_116 = vector.broadcast %mul3A_86 : vector<300x1xf32> to vector<300x300xf32>
    %add3A_117 = vector.broadcast %mul3A_95 : vector<1x300xf32> to vector<300x300xf32>
    %add3A_118 = arith.addf %add3A_116, %add3A_117 : vector<300x300xf32>
    %sub3A_119 = arith.subf %add3A_118, %mul3A_115 : vector<300x300xf32>
    %add3A_120 = arith.constant 1.000000e-07 : f32
    %add3A_121 = vector.broadcast %add3A_120 : f32 to vector<300x300xf32>
    %add3A_122 = arith.addf %sub3A_119, %add3A_121 : vector<300x300xf32>
    %div3A_123 = arith.divf %mul3A_115, %add3A_122 : vector<300x300xf32>
    %swap3A = arith.constant 0 : index
    %swap3A_124 = arith.constant 0 : index
    %swap3A_125 = vector.load %arg11[%swap3A, %swap3A_124] : memref<300x300xf32, #tpu.memory_space<vmem>>, vector<300x300xf32>
    tpu.vector_store %arg11[%swap3A, %swap3A_124], %div3A_123 {strides = array<i32>} : memref<300x300xf32, #tpu.memory_space<vmem>>, vector<300x300xf32>,
    %iota3A = tpu.iota {dimensions = array<i32: 1>} : vector<1x300xi32>
    %gt3A = arith.constant 2.500000e-01 : f32
    %gt3A_126 = vector.broadcast %gt3A : f32 to vector<1x300xf32>
    %gt3A_127 = arith.cmpf ogt, %get3A_23, %gt3A_126 : vector<1x300xf32>
    %jit3A = arith.constant 1.000000e+00 : f32
    %jit3A_128 = arith.constant 0.000000e+00 : f32
    %broadcast_in_dim3A = vector.broadcast %jit3A : f32 to vector<1x300xf32>
    %broadcast_in_dim3A_129 = vector.broadcast %jit3A_128 : f32 to vector<1x300xf32>
    %select_n3A = arith.select %gt3A_127, %broadcast_in_dim3A, %broadcast_in_dim3A_129 : vector<1x300xi1>, vector<1x300xf32>
    %scan3A = arith.constant 0 : i32
    %scan3A_130 = arith.constant 300 : i32
    %scan3A_131 = arith.addi %scan3A, %scan3A_130 : i32
    %scan3A_132 = arith.constant 1 : i32
    %scan3A_133 = scf.for %scan3A_271 = %scan3A to %scan3A_131 step %scan3A_132 iter_args(%scan3A_272 = %select_n3A) -> (vector<1x300xf32>)  : i32 {
      %get3A_273 = arith.index_cast %scan3A_271 : i32 to index
      %get3A_274 = arith.constant 0 : index
      %get3A_275 = vector.load %arg11[%get3A_273, %get3A_274] : memref<300x300xf32, #tpu.memory_space<vmem>>, vector<1x300xf32>
      %eq3A_276 = vector.broadcast %scan3A_271 : i32 to vector<1x300xi32>
      %eq3A_277 = arith.cmpi eq, %iota3A, %eq3A_276 : vector<1x300xi32>
      %jit3A_278 = arith.constant 0.000000e+00 : f32
      %broadcast_in_dim3A_279 = vector.broadcast %jit3A_278 : f32 to vector<1x300xf32>
      %select_n3A_280 = arith.select %eq3A_277, %scan3A_272, %broadcast_in_dim3A_279 : vector<1x300xi1>, vector<1x300xf32>
      %reduce_sum3A = vector.shape_cast %select_n3A_280 : vector<1x300xf32> to vector<1x1x300xf32>
      %reduce_sum3A_281 = arith.constant dense<0.000000e+00> : vector<1xf32>
      %reduce_sum3A_282 = vector.multi_reduction <add>, %reduce_sum3A, %reduce_sum3A_281 [1, 2] : vector<1x1x300xf32> to vector<1xf32>
      %reduce_sum3A_283 = vector.shape_cast %reduce_sum3A_282 : vector<1xf32> to vector<1x1x1xf32>
      %reduce_sum3A_284 = vector.extract %reduce_sum3A_283[0, 0, 0] : f32 from vector<1x1x1xf32>
      %gt3A_285 = arith.constant 4.500000e-01 : f32
      %gt3A_286 = vector.broadcast %gt3A_285 : f32 to vector<1x300xf32>
      %gt3A_287 = arith.cmpf ogt, %get3A_275, %gt3A_286 : vector<1x300xf32>
      %gt3A_288 = vector.broadcast %scan3A_271 : i32 to vector<1x300xi32>
      %gt3A_289 = arith.cmpi sgt, %iota3A, %gt3A_288 : vector<1x300xi32>
      %and3A_290 = arith.andi %gt3A_287, %gt3A_289 : vector<1x300xi1>
      %jit3A_291 = arith.constant 0.000000e+00 : f32
      %broadcast_in_dim3A_292 = vector.broadcast %reduce_sum3A_284 : f32 to vector<1x300xf32>
      %broadcast_in_dim3A_293 = vector.broadcast %jit3A_291 : f32 to vector<1x300xf32>
      %select_n3A_294 = arith.select %and3A_290, %broadcast_in_dim3A_292, %broadcast_in_dim3A_293 : vector<1x300xi1>, vector<1x300xf32>
      %sub3A_295 = arith.constant 1.000000e+00 : f32
      %sub3A_296 = vector.broadcast %sub3A_295 : f32 to vector<1x300xf32>
      %sub3A_297 = arith.subf %sub3A_296, %select_n3A_294 : vector<1x300xf32>
      %mul3A_298 = arith.mulf %scan3A_272, %sub3A_297 : vector<1x300xf32>
      scf.yield %mul3A_298 : vector<1x300xf32>
    }
    %scan3A_134 = arith.constant 300 : i32
    %swap3A_135 = arith.constant 0 : index
    %swap3A_136 = arith.constant 0 : index
    %swap3A_137 = arith.constant 0 : index
    %swap3A_138 = vector.load %arg8[%swap3A_135, %swap3A_136, %swap3A_137] : memref<1x1x300xf32, #tpu.memory_space<vmem>>, vector<1x1x300xf32>
    %swap3A_139 = vector.shape_cast %swap3A_138 : vector<1x1x300xf32> to vector<1x300xf32>
    %swap3A_140 = vector.shape_cast %scan3A_133 : vector<1x300xf32> to vector<1x1x300xf32>
    tpu.vector_store %arg8[%swap3A_135, %swap3A_136, %swap3A_137], %swap3A_140 {strides = array<i32>} : memref<1x1x300xf32, #tpu.memory_space<vmem>>, vector<1x1x300xf32>,
    %gt3A_141 = arith.constant 0.000000e+00 : f32
    %gt3A_142 = vector.broadcast %gt3A_141 : f32 to vector<1x300xf32>
    %gt3A_143 = arith.cmpf ogt, %scan3A_133, %gt3A_142 : vector<1x300xf32>
    %jit3A_144 = arith.constant -1.000000e+00 : f32
    %broadcast_in_dim3A_145 = vector.broadcast %jit3A_144 : f32 to vector<1x300xf32>
    %select_n3A_146 = arith.select %gt3A_143, %get3A_23, %broadcast_in_dim3A_145 : vector<1x300xi1>, vector<1x300xf32>
    %swap3A_147 = arith.constant 0 : index
    %swap3A_148 = arith.constant 0 : index
    %swap3A_149 = arith.constant 0 : index
    %swap3A_150 = vector.load %arg9[%swap3A_147, %swap3A_148, %swap3A_149] : memref<1x1x300xf32, #tpu.memory_space<vmem>>, vector<1x1x300xf32>
    %swap3A_151 = vector.shape_cast %swap3A_150 : vector<1x1x300xf32> to vector<1x300xf32>
    %swap3A_152 = vector.shape_cast %select_n3A_146 : vector<1x300xf32> to vector<1x1x300xf32>
    tpu.vector_store %arg9[%swap3A_147, %swap3A_148, %swap3A_149], %swap3A_152 {strides = array<i32>} : memref<1x1x300xf32, #tpu.memory_space<vmem>>, vector<1x1x300xf32>,
    %slice3A_153 = vector.extract_strided_slice %get3A_26 {offsets = [0, 2], sizes = [200, 1], strides = [1, 1]} : vector<200x6xf32> to vector<200x1xf32>
    %mul3A_154 = arith.constant 6.400000e+02 : f32
    %mul3A_155 = vector.broadcast %mul3A_154 : f32 to vector<200x1xf32>
    %mul3A_156 = arith.mulf %slice3A_153, %mul3A_155 : vector<200x1xf32>
    %slice3A_157 = vector.extract_strided_slice %get3A_26 {offsets = [0, 3], sizes = [200, 1], strides = [1, 1]} : vector<200x6xf32> to vector<200x1xf32>
    %mul3A_158 = arith.constant 6.400000e+02 : f32
    %mul3A_159 = vector.broadcast %mul3A_158 : f32 to vector<200x1xf32>
    %mul3A_160 = arith.mulf %slice3A_157, %mul3A_159 : vector<200x1xf32>
    %slice3A_161 = vector.extract_strided_slice %get3A_26 {offsets = [0, 4], sizes = [200, 1], strides = [1, 1]} : vector<200x6xf32> to vector<200x1xf32>
    %mul3A_162 = arith.constant 6.400000e+02 : f32
    %mul3A_163 = vector.broadcast %mul3A_162 : f32 to vector<200x1xf32>
    %mul3A_164 = arith.mulf %slice3A_161, %mul3A_163 : vector<200x1xf32>
    %slice3A_165 = vector.extract_strided_slice %get3A_26 {offsets = [0, 5], sizes = [200, 1], strides = [1, 1]} : vector<200x6xf32> to vector<200x1xf32>
    %mul3A_166 = arith.constant 6.400000e+02 : f32
    %mul3A_167 = vector.broadcast %mul3A_166 : f32 to vector<200x1xf32>
    %mul3A_168 = arith.mulf %slice3A_165, %mul3A_167 : vector<200x1xf32>
    %div3A_169 = arith.constant 2.000000e+00 : f32
    %div3A_170 = vector.broadcast %div3A_169 : f32 to vector<200x1xf32>
    %div3A_171 = arith.divf %mul3A_164, %div3A_170 : vector<200x1xf32>
    %sub3A_172 = arith.subf %mul3A_156, %div3A_171 : vector<200x1xf32>
    %div3A_173 = arith.constant 2.000000e+00 : f32
    %div3A_174 = vector.broadcast %div3A_173 : f32 to vector<200x1xf32>
    %div3A_175 = arith.divf %mul3A_168, %div3A_174 : vector<200x1xf32>
    %sub3A_176 = arith.subf %mul3A_160, %div3A_175 : vector<200x1xf32>
    %div3A_177 = arith.constant 2.000000e+00 : f32
    %div3A_178 = vector.broadcast %div3A_177 : f32 to vector<200x1xf32>
    %div3A_179 = arith.divf %mul3A_164, %div3A_178 : vector<200x1xf32>
    %add3A_180 = arith.addf %mul3A_156, %div3A_179 : vector<200x1xf32>
    %div3A_181 = arith.constant 2.000000e+00 : f32
    %div3A_182 = vector.broadcast %div3A_181 : f32 to vector<200x1xf32>
    %div3A_183 = arith.divf %mul3A_168, %div3A_182 : vector<200x1xf32>
    %add3A_184 = arith.addf %mul3A_160, %div3A_183 : vector<200x1xf32>
    %sub3A_185 = arith.subf %add3A_180, %sub3A_172 : vector<200x1xf32>
    %max3A_186 = arith.constant 0.000000e+00 : f32
    %max3A_187 = vector.broadcast %max3A_186 : f32 to vector<200x1xf32>
    %max3A_188 = arith.maximumf %sub3A_185, %max3A_187 : vector<200x1xf32>
    %sub3A_189 = arith.subf %add3A_184, %sub3A_176 : vector<200x1xf32>
    %max3A_190 = arith.constant 0.000000e+00 : f32
    %max3A_191 = vector.broadcast %max3A_190 : f32 to vector<200x1xf32>
    %max3A_192 = arith.maximumf %sub3A_189, %max3A_191 : vector<200x1xf32>
    %mul3A_193 = arith.mulf %max3A_188, %max3A_192 : vector<200x1xf32>
    %sub3A_194 = arith.subf %add3A_61, %sub3A_53 : vector<1x300xf32>
    %max3A_195 = arith.constant 0.000000e+00 : f32
    %max3A_196 = vector.broadcast %max3A_195 : f32 to vector<1x300xf32>
    %max3A_197 = arith.maximumf %sub3A_194, %max3A_196 : vector<1x300xf32>
    %sub3A_198 = arith.subf %add3A_65, %sub3A_57 : vector<1x300xf32>
    %max3A_199 = arith.constant 0.000000e+00 : f32
    %max3A_200 = vector.broadcast %max3A_199 : f32 to vector<1x300xf32>
    %max3A_201 = arith.maximumf %sub3A_198, %max3A_200 : vector<1x300xf32>
    %mul3A_202 = arith.mulf %max3A_197, %max3A_201 : vector<1x300xf32>
    %min3A_203 = vector.broadcast %add3A_180 : vector<200x1xf32> to vector<200x300xf32>
    %min3A_204 = vector.broadcast %add3A_61 : vector<1x300xf32> to vector<200x300xf32>
    %min3A_205 = arith.minimumf %min3A_203, %min3A_204 : vector<200x300xf32>
    %max3A_206 = vector.broadcast %sub3A_172 : vector<200x1xf32> to vector<200x300xf32>
    %max3A_207 = vector.broadcast %sub3A_53 : vector<1x300xf32> to vector<200x300xf32>
    %max3A_208 = arith.maximumf %max3A_206, %max3A_207 : vector<200x300xf32>
    %sub3A_209 = arith.subf %min3A_205, %max3A_208 : vector<200x300xf32>
    %max3A_210 = arith.constant 0.000000e+00 : f32
    %max3A_211 = vector.broadcast %max3A_210 : f32 to vector<200x300xf32>
    %max3A_212 = arith.maximumf %sub3A_209, %max3A_211 : vector<200x300xf32>
    %min3A_213 = vector.broadcast %add3A_184 : vector<200x1xf32> to vector<200x300xf32>
    %min3A_214 = vector.broadcast %add3A_65 : vector<1x300xf32> to vector<200x300xf32>
    %min3A_215 = arith.minimumf %min3A_213, %min3A_214 : vector<200x300xf32>
    %max3A_216 = vector.broadcast %sub3A_176 : vector<200x1xf32> to vector<200x300xf32>
    %max3A_217 = vector.broadcast %sub3A_57 : vector<1x300xf32> to vector<200x300xf32>
    %max3A_218 = arith.maximumf %max3A_216, %max3A_217 : vector<200x300xf32>
    %sub3A_219 = arith.subf %min3A_215, %max3A_218 : vector<200x300xf32>
    %max3A_220 = arith.constant 0.000000e+00 : f32
    %max3A_221 = vector.broadcast %max3A_220 : f32 to vector<200x300xf32>
    %max3A_222 = arith.maximumf %sub3A_219, %max3A_221 : vector<200x300xf32>
    %mul3A_223 = arith.mulf %max3A_212, %max3A_222 : vector<200x300xf32>
    %add3A_224 = vector.broadcast %mul3A_193 : vector<200x1xf32> to vector<200x300xf32>
    %add3A_225 = vector.broadcast %mul3A_202 : vector<1x300xf32> to vector<200x300xf32>
    %add3A_226 = arith.addf %add3A_224, %add3A_225 : vector<200x300xf32>
    %sub3A_227 = arith.subf %add3A_226, %mul3A_223 : vector<200x300xf32>
    %add3A_228 = arith.constant 1.000000e-07 : f32
    %add3A_229 = vector.broadcast %add3A_228 : f32 to vector<200x300xf32>
    %add3A_230 = arith.addf %sub3A_227, %add3A_229 : vector<200x300xf32>
    %div3A_231 = arith.divf %mul3A_223, %add3A_230 : vector<200x300xf32>
    %slice3A_232 = vector.extract_strided_slice %get3A_26 {offsets = [0, 1], sizes = [200, 1], strides = [1, 1]} : vector<200x6xf32> to vector<200x1xf32>
    %eq3A = vector.broadcast %slice3A_232 : vector<200x1xf32> to vector<200x300xf32>
    %eq3A_233 = vector.broadcast %get3A_18 : vector<1x300xf32> to vector<200x300xf32>
    %eq3A_234 = arith.cmpf oeq, %eq3A, %eq3A_233 : vector<200x300xf32>
    %jit3A_235 = arith.constant 1.000000e+00 : f32
    %jit3A_236 = arith.constant 0.000000e+00 : f32
    %broadcast_in_dim3A_237 = vector.broadcast %jit3A_235 : f32 to vector<200x300xf32>
    %broadcast_in_dim3A_238 = vector.broadcast %jit3A_236 : f32 to vector<200x300xf32>
    %select_n3A_239 = arith.select %eq3A_234, %broadcast_in_dim3A_237, %broadcast_in_dim3A_238 : vector<200x300xi1>, vector<200x300xf32>
    %slice3A_240 = vector.extract_strided_slice %get3A_26 {offsets = [0, 0], sizes = [200, 1], strides = [1, 1]} : vector<200x6xf32> to vector<200x1xf32>
    %eq3A_241 = vector.broadcast %convert_element_type3A : f32 to vector<200x1xf32>
    %eq3A_242 = arith.cmpf oeq, %slice3A_240, %eq3A_241 : vector<200x1xf32>
    %jit3A_243 = arith.constant 1.000000e+00 : f32
    %jit3A_244 = arith.constant 0.000000e+00 : f32
    %broadcast_in_dim3A_245 = vector.broadcast %jit3A_243 : f32 to vector<200x1xf32>
    %broadcast_in_dim3A_246 = vector.broadcast %jit3A_244 : f32 to vector<200x1xf32>
    %select_n3A_247 = arith.select %eq3A_242, %broadcast_in_dim3A_245, %broadcast_in_dim3A_246 : vector<200x1xi1>, vector<200x1xf32>
    %mul3A_248 = arith.mulf %div3A_231, %select_n3A_239 : vector<200x300xf32>
    %mul3A_249 = vector.broadcast %select_n3A_247 : vector<200x1xf32> to vector<200x300xf32>
    %mul3A_250 = arith.mulf %mul3A_248, %mul3A_249 : vector<200x300xf32>
    %reduce_max3A = arith.constant dense<0xFF800000> : vector<300xf32>
    %reduce_max3A_251 = vector.multi_reduction <maximumf>, %mul3A_250, %reduce_max3A [0] : vector<200x300xf32> to vector<300xf32>
    %broadcast_in_dim3A_252 = vector.shape_cast %reduce_max3A_251 : vector<300xf32> to vector<1x300xf32>
    %gt3A_253 = vector.broadcast %broadcast_in_dim3A_252 : vector<1x300xf32> to vector<10x300xf32>
    %gt3A_254 = vector.broadcast %get3A_29 : vector<10x1xf32> to vector<10x300xf32>
    %gt3A_255 = arith.cmpf ogt, %gt3A_253, %gt3A_254 : vector<10x300xf32>
    %gt3A_256 = arith.constant 0.000000e+00 : f32
    %gt3A_257 = vector.broadcast %gt3A_256 : f32 to vector<1x300xf32>
    %gt3A_258 = arith.cmpf ogt, %scan3A_133, %gt3A_257 : vector<1x300xf32>
    %and3A = vector.broadcast %gt3A_258 : vector<1x300xi1> to vector<10x300xi1>
    %and3A_259 = arith.andi %gt3A_255, %and3A : vector<10x300xi1>
    %jit3A_260 = arith.constant 1.000000e+00 : f32
    %jit3A_261 = arith.constant 0.000000e+00 : f32
    %broadcast_in_dim3A_262 = vector.broadcast %jit3A_260 : f32 to vector<10x300xf32>
    %broadcast_in_dim3A_263 = vector.broadcast %jit3A_261 : f32 to vector<10x300xf32>
    %select_n3A_264 = arith.select %and3A_259, %broadcast_in_dim3A_262, %broadcast_in_dim3A_263 : vector<10x300xi1>, vector<10x300xf32>
    %swap3A_265 = arith.constant 0 : index
    %swap3A_266 = arith.constant 0 : index
    %swap3A_267 = arith.constant 0 : index
    %swap3A_268 = vector.load %arg10[%swap3A_265, %swap3A_266, %swap3A_267] : memref<1x10x300xf32, #tpu.memory_space<vmem>>, vector<1x10x300xf32>
    %swap3A_269 = vector.shape_cast %swap3A_268 : vector<1x10x300xf32> to vector<10x300xf32>
    %swap3A_270 = vector.shape_cast %select_n3A_264 : vector<10x300xf32> to vector<1x10x300xf32>
    tpu.vector_store %arg10[%swap3A_265, %swap3A_266, %swap3A_267], %swap3A_270 {strides = array<i32>} : memref<1x10x300xf32, #tpu.memory_space<vmem>>, vector<1x10x300xf32>,
    return
  }
  func.func @transform_0(%arg0: i32) -> (i32, i32, i32) {
    %c0_i32 = arith.constant 0 : i32
    %c0_i32_0 = arith.constant 0 : i32
    %c0_i32_1 = arith.constant 0 : i32
    return %arg0, %c0_i32, %c0_i32_0 : i32, i32, i32
  }
  func.func @transform_1(%arg0: i32) -> (i32, i32, i32) {
    %c0_i32 = arith.constant 0 : i32
    %c0_i32_0 = arith.constant 0 : i32
    %c0_i32_1 = arith.constant 0 : i32
    return %arg0, %c0_i32, %c0_i32_0 : i32, i32, i32
  }
  func.func @transform_2(%arg0: i32) -> (i32, i32, i32) {
    %c0_i32 = arith.constant 0 : i32
    %c0_i32_0 = arith.constant 0 : i32
    %c0_i32_1 = arith.constant 0 : i32
    return %arg0, %c0_i32, %c0_i32_0 : i32, i32, i32
  }
  func.func @transform_3(%arg0: i32) -> (i32, i32, i32) {
    %c0_i32 = arith.constant 0 : i32
    %c0_i32_0 = arith.constant 0 : i32
    %c0_i32_1 = arith.constant 0 : i32
    return %arg0, %c0_i32, %c0_i32_0 : i32, i32, i32
  }
  func.func @transform_4(%arg0: i32) -> (i32, i32, i32) {
    %c0_i32 = arith.constant 0 : i32
    %c0_i32_0 = arith.constant 0 : i32
    %c0_i32_1 = arith.constant 0 : i32
    return %arg0, %c0_i32, %c0_i32_0 : i32, i32, i32
  }
  func.func @transform_5(%arg0: i32) -> (i32, i32) {
    %c0_i32 = arith.constant 0 : i32
    %c0_i32_0 = arith.constant 0 : i32
    %c0_i32_1 = arith.constant 0 : i32
    return %c0_i32, %c0_i32_0 : i32, i32
  }
  func.func @transform_6(%arg0: i32) -> (i32, i32) {
    %c0_i32 = arith.constant 0 : i32
    %c0_i32_0 = arith.constant 0 : i32
    %c0_i32_1 = arith.constant 0 : i32
    return %c0_i32, %c0_i32_0 : i32, i32
  }
  func.func @transform_7(%arg0: i32) -> (i32, i32, i32) {
    %c0_i32 = arith.constant 0 : i32
    %c0_i32_0 = arith.constant 0 : i32
    %c0_i32_1 = arith.constant 0 : i32
    return %arg0, %c0_i32, %c0_i32_0 : i32, i32, i32
  }
  func.func @transform_8(%arg0: i32) -> (i32, i32, i32) {
    %c0_i32 = arith.constant 0 : i32
    %c0_i32_0 = arith.constant 0 : i32
    %c0_i32_1 = arith.constant 0 : i32
    return %arg0, %c0_i32, %c0_i32_0 : i32, i32, i32
  }
  func.func @transform_9(%arg0: i32) -> (i32, i32, i32) {
    %c0_i32 = arith.constant 0 : i32
    %c0_i32_0 = arith.constant 0 : i32
    %c0_i32_1 = arith.constant 0 : i32
    return %arg0, %c0_i32, %c0_i32_0 : i32, i32, i32
  }
}

module attributes {stable_mosaic.version = 14 : i64} {
  func.func @_ap_kernel(%arg0: memref<1200x200xf32, #tpu.memory_space<vmem>>, %arg1: memref<1200x1xf32, #tpu.memory_space<vmem>>, %arg2: memref<1200x1xf32, #tpu.memory_space<vmem>>, %arg3: memref<1x200xf32, #tpu.memory_space<vmem>>, %arg4: memref<200x1xf32, #tpu.memory_space<vmem>>, %arg5: memref<101xf32, #tpu.memory_space<smem>>, %arg6: memref<1x200xf32, #tpu.memory_space<vmem>>, %arg7: memref<1x200xf32, #tpu.memory_space<vmem>>, %arg8: memref<1x200xf32, #tpu.memory_space<vmem>>, %arg9: memref<1x200xf32, #tpu.memory_space<vmem>>) attributes {dimension_semantics = [], scalar_prefetch = 0 : i64, scratch_operands = 0 : i64, tpu.core_type = #tpu.core_type<tc>} {
    %get3A = arith.constant 0 : index
    %get3A_0 = arith.constant 0 : index
    %get3A_1 = vector.load %arg0[%get3A, %get3A_0] : memref<1200x200xf32, #tpu.memory_space<vmem>>, vector<1200x200xf32>
    %get3A_2 = arith.constant 0 : index
    %get3A_3 = arith.constant 0 : index
    %get3A_4 = vector.load %arg1[%get3A_2, %get3A_3] : memref<1200x1xf32, #tpu.memory_space<vmem>>, vector<1200x1xf32>
    %get3A_5 = arith.constant 0 : index
    %get3A_6 = arith.constant 0 : index
    %get3A_7 = vector.load %arg2[%get3A_5, %get3A_6] : memref<1200x1xf32, #tpu.memory_space<vmem>>, vector<1200x1xf32>
    %get3A_8 = arith.constant 0 : index
    %get3A_9 = arith.constant 0 : index
    %get3A_10 = vector.load %arg3[%get3A_8, %get3A_9] : memref<1x200xf32, #tpu.memory_space<vmem>>, vector<1x200xf32>
    %get3A_11 = arith.constant 0 : index
    %get3A_12 = arith.constant 0 : index
    %get3A_13 = vector.load %arg4[%get3A_11, %get3A_12] : memref<200x1xf32, #tpu.memory_space<vmem>>, vector<200x1xf32>
    %eq3A = vector.broadcast %get3A_4 : vector<1200x1xf32> to vector<1200x200xf32>
    %eq3A_14 = vector.broadcast %get3A_10 : vector<1x200xf32> to vector<1200x200xf32>
    %eq3A_15 = arith.cmpf oeq, %eq3A, %eq3A_14 : vector<1200x200xf32>
    %jit3A = arith.constant 1.000000e+00 : f32
    %jit3A_16 = arith.constant 0.000000e+00 : f32
    %broadcast_in_dim3A = vector.broadcast %jit3A : f32 to vector<1200x200xf32>
    %broadcast_in_dim3A_17 = vector.broadcast %jit3A_16 : f32 to vector<1200x200xf32>
    %select_n3A = arith.select %eq3A_15, %broadcast_in_dim3A, %broadcast_in_dim3A_17 : vector<1200x200xi1>, vector<1200x200xf32>
    %mul3A = vector.broadcast %get3A_7 : vector<1200x1xf32> to vector<1200x200xf32>
    %mul3A_18 = arith.mulf %select_n3A, %mul3A : vector<1200x200xf32>
    %mul3A_19 = arith.mulf %get3A_1, %mul3A_18 : vector<1200x200xf32>
    %sub3A = arith.constant 1.000000e+00 : f32
    %sub3A_20 = vector.broadcast %sub3A : f32 to vector<1200x200xf32>
    %sub3A_21 = arith.subf %sub3A_20, %get3A_1 : vector<1200x200xf32>
    %mul3A_22 = arith.mulf %sub3A_21, %mul3A_18 : vector<1200x200xf32>
    %broadcast_in_dim3A_23 = arith.constant 0.000000e+00 : f32
    %broadcast_in_dim3A_24 = vector.broadcast %broadcast_in_dim3A_23 : f32 to vector<1x200xf32>
    %slice3A = vector.extract_strided_slice %mul3A_19 {offsets = [0, 0], sizes = [1199, 200], strides = [1, 1]} : vector<1200x200xf32> to vector<1199x200xf32>
    %concatenate3A = tpu.concatenate %broadcast_in_dim3A_24, %slice3A in 0 : vector<1x200xf32>, vector<1199x200xf32> -> vector<1200x200xf32>
    %add3A = arith.addf %mul3A_19, %concatenate3A : vector<1200x200xf32>
    %broadcast_in_dim3A_25 = arith.constant 0.000000e+00 : f32
    %broadcast_in_dim3A_26 = vector.broadcast %broadcast_in_dim3A_25 : f32 to vector<2x200xf32>
    %slice3A_27 = vector.extract_strided_slice %add3A {offsets = [0, 0], sizes = [1198, 200], strides = [1, 1]} : vector<1200x200xf32> to vector<1198x200xf32>
    %concatenate3A_28 = tpu.concatenate %broadcast_in_dim3A_26, %slice3A_27 in 0 : vector<2x200xf32>, vector<1198x200xf32> -> vector<1200x200xf32>
    %add3A_29 = arith.addf %add3A, %concatenate3A_28 : vector<1200x200xf32>
    %broadcast_in_dim3A_30 = arith.constant 0.000000e+00 : f32
    %broadcast_in_dim3A_31 = vector.broadcast %broadcast_in_dim3A_30 : f32 to vector<4x200xf32>
    %slice3A_32 = vector.extract_strided_slice %add3A_29 {offsets = [0, 0], sizes = [1196, 200], strides = [1, 1]} : vector<1200x200xf32> to vector<1196x200xf32>
    %concatenate3A_33 = tpu.concatenate %broadcast_in_dim3A_31, %slice3A_32 in 0 : vector<4x200xf32>, vector<1196x200xf32> -> vector<1200x200xf32>
    %add3A_34 = arith.addf %add3A_29, %concatenate3A_33 : vector<1200x200xf32>
    %broadcast_in_dim3A_35 = arith.constant 0.000000e+00 : f32
    %broadcast_in_dim3A_36 = vector.broadcast %broadcast_in_dim3A_35 : f32 to vector<8x200xf32>
    %slice3A_37 = vector.extract_strided_slice %add3A_34 {offsets = [0, 0], sizes = [1192, 200], strides = [1, 1]} : vector<1200x200xf32> to vector<1192x200xf32>
    %concatenate3A_38 = tpu.concatenate %broadcast_in_dim3A_36, %slice3A_37 in 0 : vector<8x200xf32>, vector<1192x200xf32> -> vector<1200x200xf32>
    %add3A_39 = arith.addf %add3A_34, %concatenate3A_38 : vector<1200x200xf32>
    %broadcast_in_dim3A_40 = arith.constant 0.000000e+00 : f32
    %broadcast_in_dim3A_41 = vector.broadcast %broadcast_in_dim3A_40 : f32 to vector<16x200xf32>
    %slice3A_42 = vector.extract_strided_slice %add3A_39 {offsets = [0, 0], sizes = [1184, 200], strides = [1, 1]} : vector<1200x200xf32> to vector<1184x200xf32>
    %concatenate3A_43 = tpu.concatenate %broadcast_in_dim3A_41, %slice3A_42 in 0 : vector<16x200xf32>, vector<1184x200xf32> -> vector<1200x200xf32>
    %add3A_44 = arith.addf %add3A_39, %concatenate3A_43 : vector<1200x200xf32>
    %broadcast_in_dim3A_45 = arith.constant 0.000000e+00 : f32
    %broadcast_in_dim3A_46 = vector.broadcast %broadcast_in_dim3A_45 : f32 to vector<32x200xf32>
    %slice3A_47 = vector.extract_strided_slice %add3A_44 {offsets = [0, 0], sizes = [1168, 200], strides = [1, 1]} : vector<1200x200xf32> to vector<1168x200xf32>
    %concatenate3A_48 = tpu.concatenate %broadcast_in_dim3A_46, %slice3A_47 in 0 : vector<32x200xf32>, vector<1168x200xf32> -> vector<1200x200xf32>
    %add3A_49 = arith.addf %add3A_44, %concatenate3A_48 : vector<1200x200xf32>
    %broadcast_in_dim3A_50 = arith.constant 0.000000e+00 : f32
    %broadcast_in_dim3A_51 = vector.broadcast %broadcast_in_dim3A_50 : f32 to vector<64x200xf32>
    %slice3A_52 = vector.extract_strided_slice %add3A_49 {offsets = [0, 0], sizes = [1136, 200], strides = [1, 1]} : vector<1200x200xf32> to vector<1136x200xf32>
    %concatenate3A_53 = tpu.concatenate %broadcast_in_dim3A_51, %slice3A_52 in 0 : vector<64x200xf32>, vector<1136x200xf32> -> vector<1200x200xf32>
    %add3A_54 = arith.addf %add3A_49, %concatenate3A_53 : vector<1200x200xf32>
    %broadcast_in_dim3A_55 = arith.constant 0.000000e+00 : f32
    %broadcast_in_dim3A_56 = vector.broadcast %broadcast_in_dim3A_55 : f32 to vector<128x200xf32>
    %slice3A_57 = vector.extract_strided_slice %add3A_54 {offsets = [0, 0], sizes = [1072, 200], strides = [1, 1]} : vector<1200x200xf32> to vector<1072x200xf32>
    %concatenate3A_58 = tpu.concatenate %broadcast_in_dim3A_56, %slice3A_57 in 0 : vector<128x200xf32>, vector<1072x200xf32> -> vector<1200x200xf32>
    %add3A_59 = arith.addf %add3A_54, %concatenate3A_58 : vector<1200x200xf32>
    %broadcast_in_dim3A_60 = arith.constant 0.000000e+00 : f32
    %broadcast_in_dim3A_61 = vector.broadcast %broadcast_in_dim3A_60 : f32 to vector<256x200xf32>
    %slice3A_62 = vector.extract_strided_slice %add3A_59 {offsets = [0, 0], sizes = [944, 200], strides = [1, 1]} : vector<1200x200xf32> to vector<944x200xf32>
    %concatenate3A_63 = tpu.concatenate %broadcast_in_dim3A_61, %slice3A_62 in 0 : vector<256x200xf32>, vector<944x200xf32> -> vector<1200x200xf32>
    %add3A_64 = arith.addf %add3A_59, %concatenate3A_63 : vector<1200x200xf32>
    %broadcast_in_dim3A_65 = arith.constant 0.000000e+00 : f32
    %broadcast_in_dim3A_66 = vector.broadcast %broadcast_in_dim3A_65 : f32 to vector<512x200xf32>
    %slice3A_67 = vector.extract_strided_slice %add3A_64 {offsets = [0, 0], sizes = [688, 200], strides = [1, 1]} : vector<1200x200xf32> to vector<688x200xf32>
    %concatenate3A_68 = tpu.concatenate %broadcast_in_dim3A_66, %slice3A_67 in 0 : vector<512x200xf32>, vector<688x200xf32> -> vector<1200x200xf32>
    %add3A_69 = arith.addf %add3A_64, %concatenate3A_68 : vector<1200x200xf32>
    %broadcast_in_dim3A_70 = arith.constant 0.000000e+00 : f32
    %broadcast_in_dim3A_71 = vector.broadcast %broadcast_in_dim3A_70 : f32 to vector<1024x200xf32>
    %slice3A_72 = vector.extract_strided_slice %add3A_69 {offsets = [0, 0], sizes = [176, 200], strides = [1, 1]} : vector<1200x200xf32> to vector<176x200xf32>
    %concatenate3A_73 = tpu.concatenate %broadcast_in_dim3A_71, %slice3A_72 in 0 : vector<1024x200xf32>, vector<176x200xf32> -> vector<1200x200xf32>
    %add3A_74 = arith.addf %add3A_69, %concatenate3A_73 : vector<1200x200xf32>
    %broadcast_in_dim3A_75 = arith.constant 0.000000e+00 : f32
    %broadcast_in_dim3A_76 = vector.broadcast %broadcast_in_dim3A_75 : f32 to vector<1x200xf32>
    %slice3A_77 = vector.extract_strided_slice %mul3A_22 {offsets = [0, 0], sizes = [1199, 200], strides = [1, 1]} : vector<1200x200xf32> to vector<1199x200xf32>
    %concatenate3A_78 = tpu.concatenate %broadcast_in_dim3A_76, %slice3A_77 in 0 : vector<1x200xf32>, vector<1199x200xf32> -> vector<1200x200xf32>
    %add3A_79 = arith.addf %mul3A_22, %concatenate3A_78 : vector<1200x200xf32>
    %broadcast_in_dim3A_80 = arith.constant 0.000000e+00 : f32
    %broadcast_in_dim3A_81 = vector.broadcast %broadcast_in_dim3A_80 : f32 to vector<2x200xf32>
    %slice3A_82 = vector.extract_strided_slice %add3A_79 {offsets = [0, 0], sizes = [1198, 200], strides = [1, 1]} : vector<1200x200xf32> to vector<1198x200xf32>
    %concatenate3A_83 = tpu.concatenate %broadcast_in_dim3A_81, %slice3A_82 in 0 : vector<2x200xf32>, vector<1198x200xf32> -> vector<1200x200xf32>
    %add3A_84 = arith.addf %add3A_79, %concatenate3A_83 : vector<1200x200xf32>
    %broadcast_in_dim3A_85 = arith.constant 0.000000e+00 : f32
    %broadcast_in_dim3A_86 = vector.broadcast %broadcast_in_dim3A_85 : f32 to vector<4x200xf32>
    %slice3A_87 = vector.extract_strided_slice %add3A_84 {offsets = [0, 0], sizes = [1196, 200], strides = [1, 1]} : vector<1200x200xf32> to vector<1196x200xf32>
    %concatenate3A_88 = tpu.concatenate %broadcast_in_dim3A_86, %slice3A_87 in 0 : vector<4x200xf32>, vector<1196x200xf32> -> vector<1200x200xf32>
    %add3A_89 = arith.addf %add3A_84, %concatenate3A_88 : vector<1200x200xf32>
    %broadcast_in_dim3A_90 = arith.constant 0.000000e+00 : f32
    %broadcast_in_dim3A_91 = vector.broadcast %broadcast_in_dim3A_90 : f32 to vector<8x200xf32>
    %slice3A_92 = vector.extract_strided_slice %add3A_89 {offsets = [0, 0], sizes = [1192, 200], strides = [1, 1]} : vector<1200x200xf32> to vector<1192x200xf32>
    %concatenate3A_93 = tpu.concatenate %broadcast_in_dim3A_91, %slice3A_92 in 0 : vector<8x200xf32>, vector<1192x200xf32> -> vector<1200x200xf32>
    %add3A_94 = arith.addf %add3A_89, %concatenate3A_93 : vector<1200x200xf32>
    %broadcast_in_dim3A_95 = arith.constant 0.000000e+00 : f32
    %broadcast_in_dim3A_96 = vector.broadcast %broadcast_in_dim3A_95 : f32 to vector<16x200xf32>
    %slice3A_97 = vector.extract_strided_slice %add3A_94 {offsets = [0, 0], sizes = [1184, 200], strides = [1, 1]} : vector<1200x200xf32> to vector<1184x200xf32>
    %concatenate3A_98 = tpu.concatenate %broadcast_in_dim3A_96, %slice3A_97 in 0 : vector<16x200xf32>, vector<1184x200xf32> -> vector<1200x200xf32>
    %add3A_99 = arith.addf %add3A_94, %concatenate3A_98 : vector<1200x200xf32>
    %broadcast_in_dim3A_100 = arith.constant 0.000000e+00 : f32
    %broadcast_in_dim3A_101 = vector.broadcast %broadcast_in_dim3A_100 : f32 to vector<32x200xf32>
    %slice3A_102 = vector.extract_strided_slice %add3A_99 {offsets = [0, 0], sizes = [1168, 200], strides = [1, 1]} : vector<1200x200xf32> to vector<1168x200xf32>
    %concatenate3A_103 = tpu.concatenate %broadcast_in_dim3A_101, %slice3A_102 in 0 : vector<32x200xf32>, vector<1168x200xf32> -> vector<1200x200xf32>
    %add3A_104 = arith.addf %add3A_99, %concatenate3A_103 : vector<1200x200xf32>
    %broadcast_in_dim3A_105 = arith.constant 0.000000e+00 : f32
    %broadcast_in_dim3A_106 = vector.broadcast %broadcast_in_dim3A_105 : f32 to vector<64x200xf32>
    %slice3A_107 = vector.extract_strided_slice %add3A_104 {offsets = [0, 0], sizes = [1136, 200], strides = [1, 1]} : vector<1200x200xf32> to vector<1136x200xf32>
    %concatenate3A_108 = tpu.concatenate %broadcast_in_dim3A_106, %slice3A_107 in 0 : vector<64x200xf32>, vector<1136x200xf32> -> vector<1200x200xf32>
    %add3A_109 = arith.addf %add3A_104, %concatenate3A_108 : vector<1200x200xf32>
    %broadcast_in_dim3A_110 = arith.constant 0.000000e+00 : f32
    %broadcast_in_dim3A_111 = vector.broadcast %broadcast_in_dim3A_110 : f32 to vector<128x200xf32>
    %slice3A_112 = vector.extract_strided_slice %add3A_109 {offsets = [0, 0], sizes = [1072, 200], strides = [1, 1]} : vector<1200x200xf32> to vector<1072x200xf32>
    %concatenate3A_113 = tpu.concatenate %broadcast_in_dim3A_111, %slice3A_112 in 0 : vector<128x200xf32>, vector<1072x200xf32> -> vector<1200x200xf32>
    %add3A_114 = arith.addf %add3A_109, %concatenate3A_113 : vector<1200x200xf32>
    %broadcast_in_dim3A_115 = arith.constant 0.000000e+00 : f32
    %broadcast_in_dim3A_116 = vector.broadcast %broadcast_in_dim3A_115 : f32 to vector<256x200xf32>
    %slice3A_117 = vector.extract_strided_slice %add3A_114 {offsets = [0, 0], sizes = [944, 200], strides = [1, 1]} : vector<1200x200xf32> to vector<944x200xf32>
    %concatenate3A_118 = tpu.concatenate %broadcast_in_dim3A_116, %slice3A_117 in 0 : vector<256x200xf32>, vector<944x200xf32> -> vector<1200x200xf32>
    %add3A_119 = arith.addf %add3A_114, %concatenate3A_118 : vector<1200x200xf32>
    %broadcast_in_dim3A_120 = arith.constant 0.000000e+00 : f32
    %broadcast_in_dim3A_121 = vector.broadcast %broadcast_in_dim3A_120 : f32 to vector<512x200xf32>
    %slice3A_122 = vector.extract_strided_slice %add3A_119 {offsets = [0, 0], sizes = [688, 200], strides = [1, 1]} : vector<1200x200xf32> to vector<688x200xf32>
    %concatenate3A_123 = tpu.concatenate %broadcast_in_dim3A_121, %slice3A_122 in 0 : vector<512x200xf32>, vector<688x200xf32> -> vector<1200x200xf32>
    %add3A_124 = arith.addf %add3A_119, %concatenate3A_123 : vector<1200x200xf32>
    %broadcast_in_dim3A_125 = arith.constant 0.000000e+00 : f32
    %broadcast_in_dim3A_126 = vector.broadcast %broadcast_in_dim3A_125 : f32 to vector<1024x200xf32>
    %slice3A_127 = vector.extract_strided_slice %add3A_124 {offsets = [0, 0], sizes = [176, 200], strides = [1, 1]} : vector<1200x200xf32> to vector<176x200xf32>
    %concatenate3A_128 = tpu.concatenate %broadcast_in_dim3A_126, %slice3A_127 in 0 : vector<1024x200xf32>, vector<176x200xf32> -> vector<1200x200xf32>
    %add3A_129 = arith.addf %add3A_124, %concatenate3A_128 : vector<1200x200xf32>
    %eq3A_130 = vector.broadcast %get3A_13 : vector<200x1xf32> to vector<200x200xf32>
    %eq3A_131 = vector.broadcast %get3A_10 : vector<1x200xf32> to vector<200x200xf32>
    %eq3A_132 = arith.cmpf oeq, %eq3A_130, %eq3A_131 : vector<200x200xf32>
    %jit3A_133 = arith.constant 1.000000e+00 : f32
    %jit3A_134 = arith.constant 0.000000e+00 : f32
    %broadcast_in_dim3A_135 = vector.broadcast %jit3A_133 : f32 to vector<200x200xf32>
    %broadcast_in_dim3A_136 = vector.broadcast %jit3A_134 : f32 to vector<200x200xf32>
    %select_n3A_137 = arith.select %eq3A_132, %broadcast_in_dim3A_135, %broadcast_in_dim3A_136 : vector<200x200xi1>, vector<200x200xf32>
    %reduce_sum3A = arith.constant dense<0.000000e+00> : vector<200xf32>
    %reduce_sum3A_138 = vector.multi_reduction <add>, %select_n3A_137, %reduce_sum3A [0] : vector<200x200xf32> to vector<200xf32>
    %broadcast_in_dim3A_139 = vector.shape_cast %reduce_sum3A_138 : vector<200xf32> to vector<1x200xf32>
    %add3A_140 = arith.constant 9.99999971E-10 : f32
    %add3A_141 = vector.broadcast %add3A_140 : f32 to vector<1x200xf32>
    %add3A_142 = arith.addf %broadcast_in_dim3A_139, %add3A_141 : vector<1x200xf32>
    %div3A = vector.broadcast %add3A_142 : vector<1x200xf32> to vector<1200x200xf32>
    %div3A_143 = arith.divf %add3A_74, %div3A : vector<1200x200xf32>
    %add3A_144 = arith.addf %add3A_74, %add3A_129 : vector<1200x200xf32>
    %add3A_145 = arith.constant 9.99999971E-10 : f32
    %add3A_146 = vector.broadcast %add3A_145 : f32 to vector<1200x200xf32>
    %add3A_147 = arith.addf %add3A_144, %add3A_146 : vector<1200x200xf32>
    %div3A_148 = arith.divf %add3A_74, %add3A_147 : vector<1200x200xf32>
    %broadcast_in_dim3A_149 = arith.constant 1.000000e+00 : f32
    %broadcast_in_dim3A_150 = vector.broadcast %broadcast_in_dim3A_149 : f32 to vector<1x200xf32>
    %broadcast_in_dim3A_151 = arith.constant 0.000000e+00 : f32
    %broadcast_in_dim3A_152 = vector.broadcast %broadcast_in_dim3A_151 : f32 to vector<1x200xf32>
    %concatenate3A_153 = tpu.concatenate %broadcast_in_dim3A_152, %div3A_143, %broadcast_in_dim3A_150 in 0 : vector<1x200xf32>, vector<1200x200xf32>, vector<1x200xf32> -> vector<1202x200xf32>
    %concatenate3A_154 = tpu.concatenate %broadcast_in_dim3A_150, %div3A_148, %broadcast_in_dim3A_152 in 0 : vector<1x200xf32>, vector<1200x200xf32>, vector<1x200xf32> -> vector<1202x200xf32>
    %slice3A_155 = vector.extract_strided_slice %concatenate3A_154 {offsets = [1, 0], sizes = [1201, 200], strides = [1, 1]} : vector<1202x200xf32> to vector<1201x200xf32>
    %broadcast_in_dim3A_156 = arith.constant 0.000000e+00 : f32
    %broadcast_in_dim3A_157 = vector.broadcast %broadcast_in_dim3A_156 : f32 to vector<1x200xf32>
    %concatenate3A_158 = tpu.concatenate %slice3A_155, %broadcast_in_dim3A_157 in 0 : vector<1201x200xf32>, vector<1x200xf32> -> vector<1202x200xf32>
    %max3A = arith.maximumf %concatenate3A_154, %concatenate3A_158 : vector<1202x200xf32>
    %slice3A_159 = vector.extract_strided_slice %max3A {offsets = [2, 0], sizes = [1200, 200], strides = [1, 1]} : vector<1202x200xf32> to vector<1200x200xf32>
    %broadcast_in_dim3A_160 = arith.constant 0.000000e+00 : f32
    %broadcast_in_dim3A_161 = vector.broadcast %broadcast_in_dim3A_160 : f32 to vector<2x200xf32>
    %concatenate3A_162 = tpu.concatenate %slice3A_159, %broadcast_in_dim3A_161 in 0 : vector<1200x200xf32>, vector<2x200xf32> -> vector<1202x200xf32>
    %max3A_163 = arith.maximumf %max3A, %concatenate3A_162 : vector<1202x200xf32>
    %slice3A_164 = vector.extract_strided_slice %max3A_163 {offsets = [4, 0], sizes = [1198, 200], strides = [1, 1]} : vector<1202x200xf32> to vector<1198x200xf32>
    %broadcast_in_dim3A_165 = arith.constant 0.000000e+00 : f32
    %broadcast_in_dim3A_166 = vector.broadcast %broadcast_in_dim3A_165 : f32 to vector<4x200xf32>
    %concatenate3A_167 = tpu.concatenate %slice3A_164, %broadcast_in_dim3A_166 in 0 : vector<1198x200xf32>, vector<4x200xf32> -> vector<1202x200xf32>
    %max3A_168 = arith.maximumf %max3A_163, %concatenate3A_167 : vector<1202x200xf32>
    %slice3A_169 = vector.extract_strided_slice %max3A_168 {offsets = [8, 0], sizes = [1194, 200], strides = [1, 1]} : vector<1202x200xf32> to vector<1194x200xf32>
    %broadcast_in_dim3A_170 = arith.constant 0.000000e+00 : f32
    %broadcast_in_dim3A_171 = vector.broadcast %broadcast_in_dim3A_170 : f32 to vector<8x200xf32>
    %concatenate3A_172 = tpu.concatenate %slice3A_169, %broadcast_in_dim3A_171 in 0 : vector<1194x200xf32>, vector<8x200xf32> -> vector<1202x200xf32>
    %max3A_173 = arith.maximumf %max3A_168, %concatenate3A_172 : vector<1202x200xf32>
    %slice3A_174 = vector.extract_strided_slice %max3A_173 {offsets = [16, 0], sizes = [1186, 200], strides = [1, 1]} : vector<1202x200xf32> to vector<1186x200xf32>
    %broadcast_in_dim3A_175 = arith.constant 0.000000e+00 : f32
    %broadcast_in_dim3A_176 = vector.broadcast %broadcast_in_dim3A_175 : f32 to vector<16x200xf32>
    %concatenate3A_177 = tpu.concatenate %slice3A_174, %broadcast_in_dim3A_176 in 0 : vector<1186x200xf32>, vector<16x200xf32> -> vector<1202x200xf32>
    %max3A_178 = arith.maximumf %max3A_173, %concatenate3A_177 : vector<1202x200xf32>
    %slice3A_179 = vector.extract_strided_slice %max3A_178 {offsets = [32, 0], sizes = [1170, 200], strides = [1, 1]} : vector<1202x200xf32> to vector<1170x200xf32>
    %broadcast_in_dim3A_180 = arith.constant 0.000000e+00 : f32
    %broadcast_in_dim3A_181 = vector.broadcast %broadcast_in_dim3A_180 : f32 to vector<32x200xf32>
    %concatenate3A_182 = tpu.concatenate %slice3A_179, %broadcast_in_dim3A_181 in 0 : vector<1170x200xf32>, vector<32x200xf32> -> vector<1202x200xf32>
    %max3A_183 = arith.maximumf %max3A_178, %concatenate3A_182 : vector<1202x200xf32>
    %slice3A_184 = vector.extract_strided_slice %max3A_183 {offsets = [64, 0], sizes = [1138, 200], strides = [1, 1]} : vector<1202x200xf32> to vector<1138x200xf32>
    %broadcast_in_dim3A_185 = arith.constant 0.000000e+00 : f32
    %broadcast_in_dim3A_186 = vector.broadcast %broadcast_in_dim3A_185 : f32 to vector<64x200xf32>
    %concatenate3A_187 = tpu.concatenate %slice3A_184, %broadcast_in_dim3A_186 in 0 : vector<1138x200xf32>, vector<64x200xf32> -> vector<1202x200xf32>
    %max3A_188 = arith.maximumf %max3A_183, %concatenate3A_187 : vector<1202x200xf32>
    %slice3A_189 = vector.extract_strided_slice %max3A_188 {offsets = [128, 0], sizes = [1074, 200], strides = [1, 1]} : vector<1202x200xf32> to vector<1074x200xf32>
    %broadcast_in_dim3A_190 = arith.constant 0.000000e+00 : f32
    %broadcast_in_dim3A_191 = vector.broadcast %broadcast_in_dim3A_190 : f32 to vector<128x200xf32>
    %concatenate3A_192 = tpu.concatenate %slice3A_189, %broadcast_in_dim3A_191 in 0 : vector<1074x200xf32>, vector<128x200xf32> -> vector<1202x200xf32>
    %max3A_193 = arith.maximumf %max3A_188, %concatenate3A_192 : vector<1202x200xf32>
    %slice3A_194 = vector.extract_strided_slice %max3A_193 {offsets = [256, 0], sizes = [946, 200], strides = [1, 1]} : vector<1202x200xf32> to vector<946x200xf32>
    %broadcast_in_dim3A_195 = arith.constant 0.000000e+00 : f32
    %broadcast_in_dim3A_196 = vector.broadcast %broadcast_in_dim3A_195 : f32 to vector<256x200xf32>
    %concatenate3A_197 = tpu.concatenate %slice3A_194, %broadcast_in_dim3A_196 in 0 : vector<946x200xf32>, vector<256x200xf32> -> vector<1202x200xf32>
    %max3A_198 = arith.maximumf %max3A_193, %concatenate3A_197 : vector<1202x200xf32>
    %slice3A_199 = vector.extract_strided_slice %max3A_198 {offsets = [512, 0], sizes = [690, 200], strides = [1, 1]} : vector<1202x200xf32> to vector<690x200xf32>
    %broadcast_in_dim3A_200 = arith.constant 0.000000e+00 : f32
    %broadcast_in_dim3A_201 = vector.broadcast %broadcast_in_dim3A_200 : f32 to vector<512x200xf32>
    %concatenate3A_202 = tpu.concatenate %slice3A_199, %broadcast_in_dim3A_201 in 0 : vector<690x200xf32>, vector<512x200xf32> -> vector<1202x200xf32>
    %max3A_203 = arith.maximumf %max3A_198, %concatenate3A_202 : vector<1202x200xf32>
    %slice3A_204 = vector.extract_strided_slice %max3A_203 {offsets = [1024, 0], sizes = [178, 200], strides = [1, 1]} : vector<1202x200xf32> to vector<178x200xf32>
    %broadcast_in_dim3A_205 = arith.constant 0.000000e+00 : f32
    %broadcast_in_dim3A_206 = vector.broadcast %broadcast_in_dim3A_205 : f32 to vector<1024x200xf32>
    %concatenate3A_207 = tpu.concatenate %slice3A_204, %broadcast_in_dim3A_206 in 0 : vector<178x200xf32>, vector<1024x200xf32> -> vector<1202x200xf32>
    %max3A_208 = arith.maximumf %max3A_203, %concatenate3A_207 : vector<1202x200xf32>
    %iota3A = tpu.iota {dimensions = array<i32: 0>} : vector<1202x200xi32>
    %get3A_209 = arith.constant 0 : index
    %get3A_210 = memref.load %arg5[%get3A_209] : memref<101xf32, #tpu.memory_space<smem>>
    %le3A = vector.broadcast %get3A_210 : f32 to vector<1202x200xf32>
    %le3A_211 = arith.cmpf ole, %concatenate3A_153, %le3A : vector<1202x200xf32>
    %jit3A_212 = arith.constant 1 : i32
    %jit3A_213 = arith.constant 0 : i32
    %broadcast_in_dim3A_214 = vector.broadcast %jit3A_212 : i32 to vector<1202x200xi32>
    %broadcast_in_dim3A_215 = vector.broadcast %jit3A_213 : i32 to vector<1202x200xi32>
    %select_n3A_216 = arith.select %le3A_211, %broadcast_in_dim3A_214, %broadcast_in_dim3A_215 : vector<1202x200xi1>, vector<1202x200xi32>
    %reduce_sum3A_217 = arith.constant dense<0> : vector<200xi32>
    %reduce_sum3A_218 = vector.multi_reduction <add>, %select_n3A_216, %reduce_sum3A_217 [0] : vector<1202x200xi32> to vector<200xi32>
    %broadcast_in_dim3A_219 = vector.shape_cast %reduce_sum3A_218 : vector<200xi32> to vector<1x200xi32>
    %jit3A_220 = arith.constant 1 : i32
    %jit3A_221 = arith.constant 1201 : i32
    %max3A_222 = vector.broadcast %jit3A_220 : i32 to vector<1x200xi32>
    %max3A_223 = arith.maxsi %max3A_222, %broadcast_in_dim3A_219 : vector<1x200xi32>
    %min3A = vector.broadcast %jit3A_221 : i32 to vector<1x200xi32>
    %min3A_224 = arith.minsi %min3A, %max3A_223 : vector<1x200xi32>
    %eq3A_225 = vector.broadcast %min3A_224 : vector<1x200xi32> to vector<1202x200xi32>
    %eq3A_226 = arith.cmpi eq, %iota3A, %eq3A_225 : vector<1202x200xi32>
    %sub3A_227 = arith.constant 1 : i32
    %sub3A_228 = vector.broadcast %sub3A_227 : i32 to vector<1x200xi32>
    %sub3A_229 = arith.subi %min3A_224, %sub3A_228 : vector<1x200xi32>
    %eq3A_230 = vector.broadcast %sub3A_229 : vector<1x200xi32> to vector<1202x200xi32>
    %eq3A_231 = arith.cmpi eq, %iota3A, %eq3A_230 : vector<1202x200xi32>
    %jit3A_232 = arith.constant 0.000000e+00 : f32
    %broadcast_in_dim3A_233 = vector.broadcast %jit3A_232 : f32 to vector<1202x200xf32>
    %select_n3A_234 = arith.select %eq3A_226, %max3A_208, %broadcast_in_dim3A_233 : vector<1202x200xi1>, vector<1202x200xf32>
    %reduce_sum3A_235 = arith.constant dense<0.000000e+00> : vector<200xf32>
    %reduce_sum3A_236 = vector.multi_reduction <add>, %select_n3A_234, %reduce_sum3A_235 [0] : vector<1202x200xf32> to vector<200xf32>
    %broadcast_in_dim3A_237 = vector.shape_cast %reduce_sum3A_236 : vector<200xf32> to vector<1x200xf32>
    %jit3A_238 = arith.constant 0.000000e+00 : f32
    %broadcast_in_dim3A_239 = vector.broadcast %jit3A_238 : f32 to vector<1202x200xf32>
    %select_n3A_240 = arith.select %eq3A_231, %max3A_208, %broadcast_in_dim3A_239 : vector<1202x200xi1>, vector<1202x200xf32>
    %reduce_sum3A_241 = arith.constant dense<0.000000e+00> : vector<200xf32>
    %reduce_sum3A_242 = vector.multi_reduction <add>, %select_n3A_240, %reduce_sum3A_241 [0] : vector<1202x200xf32> to vector<200xf32>
    %broadcast_in_dim3A_243 = vector.shape_cast %reduce_sum3A_242 : vector<200xf32> to vector<1x200xf32>
    %jit3A_244 = arith.constant 0.000000e+00 : f32
    %broadcast_in_dim3A_245 = vector.broadcast %jit3A_244 : f32 to vector<1202x200xf32>
    %select_n3A_246 = arith.select %eq3A_226, %concatenate3A_153, %broadcast_in_dim3A_245 : vector<1202x200xi1>, vector<1202x200xf32>
    %reduce_sum3A_247 = arith.constant dense<0.000000e+00> : vector<200xf32>
    %reduce_sum3A_248 = vector.multi_reduction <add>, %select_n3A_246, %reduce_sum3A_247 [0] : vector<1202x200xf32> to vector<200xf32>
    %broadcast_in_dim3A_249 = vector.shape_cast %reduce_sum3A_248 : vector<200xf32> to vector<1x200xf32>
    %jit3A_250 = arith.constant 0.000000e+00 : f32
    %broadcast_in_dim3A_251 = vector.broadcast %jit3A_250 : f32 to vector<1202x200xf32>
    %select_n3A_252 = arith.select %eq3A_231, %concatenate3A_153, %broadcast_in_dim3A_251 : vector<1202x200xi1>, vector<1202x200xf32>
    %reduce_sum3A_253 = arith.constant dense<0.000000e+00> : vector<200xf32>
    %reduce_sum3A_254 = vector.multi_reduction <add>, %select_n3A_252, %reduce_sum3A_253 [0] : vector<1202x200xf32> to vector<200xf32>
    %broadcast_in_dim3A_255 = vector.shape_cast %reduce_sum3A_254 : vector<200xf32> to vector<1x200xf32>
    %sub3A_256 = arith.subf %broadcast_in_dim3A_237, %broadcast_in_dim3A_243 : vector<1x200xf32>
    %sub3A_257 = arith.subf %broadcast_in_dim3A_249, %broadcast_in_dim3A_255 : vector<1x200xf32>
    %sub3A_258 = vector.broadcast %get3A_210 : f32 to vector<1x200xf32>
    %sub3A_259 = arith.subf %sub3A_258, %broadcast_in_dim3A_255 : vector<1x200xf32>
    %abs3A = math.absf %sub3A_257 : vector<1x200xf32>
    %le3A_260 = arith.constant 1.42108547E-14 : f32
    %le3A_261 = vector.broadcast %le3A_260 : f32 to vector<1x200xf32>
    %le3A_262 = arith.cmpf ole, %abs3A, %le3A_261 : vector<1x200xf32>
    %jit3A_263 = arith.constant 1.000000e+00 : f32
    %broadcast_in_dim3A_264 = vector.broadcast %jit3A_263 : f32 to vector<1x200xf32>
    %select_n3A_265 = arith.select %le3A_262, %broadcast_in_dim3A_264, %sub3A_257 : vector<1x200xi1>, vector<1x200xf32>
    %div3A_266 = arith.divf %sub3A_259, %select_n3A_265 : vector<1x200xf32>
    %mul3A_267 = arith.mulf %div3A_266, %sub3A_256 : vector<1x200xf32>
    %add3A_268 = arith.addf %broadcast_in_dim3A_243, %mul3A_267 : vector<1x200xf32>
    %select_n3A_269 = arith.select %le3A_262, %broadcast_in_dim3A_243, %add3A_268 : vector<1x200xi1>, vector<1x200xf32>
    %broadcast_in_dim3A_270 = arith.constant 0.000000e+00 : f32
    %broadcast_in_dim3A_271 = vector.broadcast %broadcast_in_dim3A_270 : f32 to vector<1x200xf32>
    %scan3A = arith.constant 1 : i32
    %scan3A_272 = arith.constant 100 : i32
    %scan3A_273 = arith.addi %scan3A, %scan3A_272 : i32
    %scan3A_274 = arith.constant 1 : i32
    %scan3A_275:2 = scf.for %scan3A_321 = %scan3A to %scan3A_273 step %scan3A_274 iter_args(%scan3A_322 = %select_n3A_269, %scan3A_323 = %broadcast_in_dim3A_271) -> (vector<1x200xf32>, vector<1x200xf32>)  : i32 {
      %get3A_324 = arith.index_cast %scan3A_321 : i32 to index
      %get3A_325 = memref.load %arg5[%get3A_324] : memref<101xf32, #tpu.memory_space<smem>>
      %sub3A_326 = arith.constant 1 : i32
      %sub3A_327 = arith.subi %scan3A_321, %sub3A_326 : i32
      %get3A_328 = arith.index_cast %sub3A_327 : i32 to index
      %get3A_329 = memref.load %arg5[%get3A_328] : memref<101xf32, #tpu.memory_space<smem>>
      %le3A_330 = vector.broadcast %get3A_325 : f32 to vector<1202x200xf32>
      %le3A_331 = arith.cmpf ole, %concatenate3A_153, %le3A_330 : vector<1202x200xf32>
      %jit3A_332 = arith.constant 1 : i32
      %jit3A_333 = arith.constant 0 : i32
      %broadcast_in_dim3A_334 = vector.broadcast %jit3A_332 : i32 to vector<1202x200xi32>
      %broadcast_in_dim3A_335 = vector.broadcast %jit3A_333 : i32 to vector<1202x200xi32>
      %select_n3A_336 = arith.select %le3A_331, %broadcast_in_dim3A_334, %broadcast_in_dim3A_335 : vector<1202x200xi1>, vector<1202x200xi32>
      %reduce_sum3A_337 = arith.constant dense<0> : vector<200xi32>
      %reduce_sum3A_338 = vector.multi_reduction <add>, %select_n3A_336, %reduce_sum3A_337 [0] : vector<1202x200xi32> to vector<200xi32>
      %broadcast_in_dim3A_339 = vector.shape_cast %reduce_sum3A_338 : vector<200xi32> to vector<1x200xi32>
      %jit3A_340 = arith.constant 1 : i32
      %jit3A_341 = arith.constant 1201 : i32
      %max3A_342 = vector.broadcast %jit3A_340 : i32 to vector<1x200xi32>
      %max3A_343 = arith.maxsi %max3A_342, %broadcast_in_dim3A_339 : vector<1x200xi32>
      %min3A_344 = vector.broadcast %jit3A_341 : i32 to vector<1x200xi32>
      %min3A_345 = arith.minsi %min3A_344, %max3A_343 : vector<1x200xi32>
      %eq3A_346 = vector.broadcast %min3A_345 : vector<1x200xi32> to vector<1202x200xi32>
      %eq3A_347 = arith.cmpi eq, %iota3A, %eq3A_346 : vector<1202x200xi32>
      %sub3A_348 = arith.constant 1 : i32
      %sub3A_349 = vector.broadcast %sub3A_348 : i32 to vector<1x200xi32>
      %sub3A_350 = arith.subi %min3A_345, %sub3A_349 : vector<1x200xi32>
      %eq3A_351 = vector.broadcast %sub3A_350 : vector<1x200xi32> to vector<1202x200xi32>
      %eq3A_352 = arith.cmpi eq, %iota3A, %eq3A_351 : vector<1202x200xi32>
      %jit3A_353 = arith.constant 0.000000e+00 : f32
      %broadcast_in_dim3A_354 = vector.broadcast %jit3A_353 : f32 to vector<1202x200xf32>
      %select_n3A_355 = arith.select %eq3A_347, %max3A_208, %broadcast_in_dim3A_354 : vector<1202x200xi1>, vector<1202x200xf32>
      %reduce_sum3A_356 = arith.constant dense<0.000000e+00> : vector<200xf32>
      %reduce_sum3A_357 = vector.multi_reduction <add>, %select_n3A_355, %reduce_sum3A_356 [0] : vector<1202x200xf32> to vector<200xf32>
      %broadcast_in_dim3A_358 = vector.shape_cast %reduce_sum3A_357 : vector<200xf32> to vector<1x200xf32>
      %jit3A_359 = arith.constant 0.000000e+00 : f32
      %broadcast_in_dim3A_360 = vector.broadcast %jit3A_359 : f32 to vector<1202x200xf32>
      %select_n3A_361 = arith.select %eq3A_352, %max3A_208, %broadcast_in_dim3A_360 : vector<1202x200xi1>, vector<1202x200xf32>
      %reduce_sum3A_362 = arith.constant dense<0.000000e+00> : vector<200xf32>
      %reduce_sum3A_363 = vector.multi_reduction <add>, %select_n3A_361, %reduce_sum3A_362 [0] : vector<1202x200xf32> to vector<200xf32>
      %broadcast_in_dim3A_364 = vector.shape_cast %reduce_sum3A_363 : vector<200xf32> to vector<1x200xf32>
      %jit3A_365 = arith.constant 0.000000e+00 : f32
      %broadcast_in_dim3A_366 = vector.broadcast %jit3A_365 : f32 to vector<1202x200xf32>
      %select_n3A_367 = arith.select %eq3A_347, %concatenate3A_153, %broadcast_in_dim3A_366 : vector<1202x200xi1>, vector<1202x200xf32>
      %reduce_sum3A_368 = arith.constant dense<0.000000e+00> : vector<200xf32>
      %reduce_sum3A_369 = vector.multi_reduction <add>, %select_n3A_367, %reduce_sum3A_368 [0] : vector<1202x200xf32> to vector<200xf32>
      %broadcast_in_dim3A_370 = vector.shape_cast %reduce_sum3A_369 : vector<200xf32> to vector<1x200xf32>
      %jit3A_371 = arith.constant 0.000000e+00 : f32
      %broadcast_in_dim3A_372 = vector.broadcast %jit3A_371 : f32 to vector<1202x200xf32>
      %select_n3A_373 = arith.select %eq3A_352, %concatenate3A_153, %broadcast_in_dim3A_372 : vector<1202x200xi1>, vector<1202x200xf32>
      %reduce_sum3A_374 = arith.constant dense<0.000000e+00> : vector<200xf32>
      %reduce_sum3A_375 = vector.multi_reduction <add>, %select_n3A_373, %reduce_sum3A_374 [0] : vector<1202x200xf32> to vector<200xf32>
      %broadcast_in_dim3A_376 = vector.shape_cast %reduce_sum3A_375 : vector<200xf32> to vector<1x200xf32>
      %sub3A_377 = arith.subf %broadcast_in_dim3A_358, %broadcast_in_dim3A_364 : vector<1x200xf32>
      %sub3A_378 = arith.subf %broadcast_in_dim3A_370, %broadcast_in_dim3A_376 : vector<1x200xf32>
      %sub3A_379 = vector.broadcast %get3A_325 : f32 to vector<1x200xf32>
      %sub3A_380 = arith.subf %sub3A_379, %broadcast_in_dim3A_376 : vector<1x200xf32>
      %abs3A_381 = math.absf %sub3A_378 : vector<1x200xf32>
      %le3A_382 = arith.constant 1.42108547E-14 : f32
      %le3A_383 = vector.broadcast %le3A_382 : f32 to vector<1x200xf32>
      %le3A_384 = arith.cmpf ole, %abs3A_381, %le3A_383 : vector<1x200xf32>
      %jit3A_385 = arith.constant 1.000000e+00 : f32
      %broadcast_in_dim3A_386 = vector.broadcast %jit3A_385 : f32 to vector<1x200xf32>
      %select_n3A_387 = arith.select %le3A_384, %broadcast_in_dim3A_386, %sub3A_378 : vector<1x200xi1>, vector<1x200xf32>
      %div3A_388 = arith.divf %sub3A_380, %select_n3A_387 : vector<1x200xf32>
      %mul3A_389 = arith.mulf %div3A_388, %sub3A_377 : vector<1x200xf32>
      %add3A_390 = arith.addf %broadcast_in_dim3A_364, %mul3A_389 : vector<1x200xf32>
      %select_n3A_391 = arith.select %le3A_384, %broadcast_in_dim3A_364, %add3A_390 : vector<1x200xi1>, vector<1x200xf32>
      %add3A_392 = arith.addf %select_n3A_391, %scan3A_322 : vector<1x200xf32>
      %mul3A_393 = arith.constant 5.000000e-01 : f32
      %mul3A_394 = vector.broadcast %mul3A_393 : f32 to vector<1x200xf32>
      %mul3A_395 = arith.mulf %add3A_392, %mul3A_394 : vector<1x200xf32>
      %sub3A_396 = arith.subf %get3A_325, %get3A_329 : f32
      %mul3A_397 = vector.broadcast %sub3A_396 : f32 to vector<1x200xf32>
      %mul3A_398 = arith.mulf %mul3A_395, %mul3A_397 : vector<1x200xf32>
      %add3A_399 = arith.addf %scan3A_323, %mul3A_398 : vector<1x200xf32>
      scf.yield %select_n3A_391, %add3A_399 : vector<1x200xf32>, vector<1x200xf32>
    }
    %scan3A_276 = arith.constant 100 : i32
    %mul3A_277 = arith.constant 2.000000e+00 : f32
    %mul3A_278 = vector.broadcast %mul3A_277 : f32 to vector<1200x200xf32>
    %mul3A_279 = arith.mulf %mul3A_278, %div3A_148 : vector<1200x200xf32>
    %mul3A_280 = arith.mulf %mul3A_279, %div3A_143 : vector<1200x200xf32>
    %add3A_281 = arith.addf %div3A_148, %div3A_143 : vector<1200x200xf32>
    %add3A_282 = arith.constant 9.99999971E-10 : f32
    %add3A_283 = vector.broadcast %add3A_282 : f32 to vector<1200x200xf32>
    %add3A_284 = arith.addf %add3A_281, %add3A_283 : vector<1200x200xf32>
    %div3A_285 = arith.divf %mul3A_280, %add3A_284 : vector<1200x200xf32>
    %reduce_max3A = arith.constant dense<0xFF800000> : vector<200xf32>
    %reduce_max3A_286 = vector.multi_reduction <maximumf>, %div3A_285, %reduce_max3A [0] : vector<1200x200xf32> to vector<200xf32>
    %broadcast_in_dim3A_287 = vector.shape_cast %reduce_max3A_286 : vector<200xf32> to vector<1x200xf32>
    %iota3A_288 = tpu.iota {dimensions = array<i32: 0>} : vector<1200x200xi32>
    %eq3A_289 = vector.broadcast %broadcast_in_dim3A_287 : vector<1x200xf32> to vector<1200x200xf32>
    %eq3A_290 = arith.cmpf oeq, %div3A_285, %eq3A_289 : vector<1200x200xf32>
    %jit3A_291 = arith.constant 1200 : i32
    %broadcast_in_dim3A_292 = vector.broadcast %jit3A_291 : i32 to vector<1200x200xi32>
    %select_n3A_293 = arith.select %eq3A_290, %iota3A_288, %broadcast_in_dim3A_292 : vector<1200x200xi1>, vector<1200x200xi32>
    %reduce_min3A = arith.constant dense<2147483647> : vector<200xi32>
    %reduce_min3A_294 = vector.multi_reduction <minsi>, %select_n3A_293, %reduce_min3A [0] : vector<1200x200xi32> to vector<200xi32>
    %broadcast_in_dim3A_295 = vector.shape_cast %reduce_min3A_294 : vector<200xi32> to vector<1x200xi32>
    %eq3A_296 = vector.broadcast %broadcast_in_dim3A_295 : vector<1x200xi32> to vector<1200x200xi32>
    %eq3A_297 = arith.cmpi eq, %iota3A_288, %eq3A_296 : vector<1200x200xi32>
    %swap3A = arith.constant 0 : index
    %swap3A_298 = arith.constant 0 : index
    %swap3A_299 = vector.load %arg6[%swap3A, %swap3A_298] : memref<1x200xf32, #tpu.memory_space<vmem>>, vector<1x200xf32>
    tpu.vector_store %arg6[%swap3A, %swap3A_298], %scan3A_275#1 {strides = array<i32>} : memref<1x200xf32, #tpu.memory_space<vmem>>, vector<1x200xf32>,
    %jit3A_300 = arith.constant 0.000000e+00 : f32
    %broadcast_in_dim3A_301 = vector.broadcast %jit3A_300 : f32 to vector<1200x200xf32>
    %select_n3A_302 = arith.select %eq3A_297, %div3A_148, %broadcast_in_dim3A_301 : vector<1200x200xi1>, vector<1200x200xf32>
    %reduce_sum3A_303 = arith.constant dense<0.000000e+00> : vector<200xf32>
    %reduce_sum3A_304 = vector.multi_reduction <add>, %select_n3A_302, %reduce_sum3A_303 [0] : vector<1200x200xf32> to vector<200xf32>
    %broadcast_in_dim3A_305 = vector.shape_cast %reduce_sum3A_304 : vector<200xf32> to vector<1x200xf32>
    %swap3A_306 = arith.constant 0 : index
    %swap3A_307 = arith.constant 0 : index
    %swap3A_308 = vector.load %arg7[%swap3A_306, %swap3A_307] : memref<1x200xf32, #tpu.memory_space<vmem>>, vector<1x200xf32>
    tpu.vector_store %arg7[%swap3A_306, %swap3A_307], %broadcast_in_dim3A_305 {strides = array<i32>} : memref<1x200xf32, #tpu.memory_space<vmem>>, vector<1x200xf32>,
    %jit3A_309 = arith.constant 0.000000e+00 : f32
    %broadcast_in_dim3A_310 = vector.broadcast %jit3A_309 : f32 to vector<1200x200xf32>
    %select_n3A_311 = arith.select %eq3A_297, %div3A_143, %broadcast_in_dim3A_310 : vector<1200x200xi1>, vector<1200x200xf32>
    %reduce_sum3A_312 = arith.constant dense<0.000000e+00> : vector<200xf32>
    %reduce_sum3A_313 = vector.multi_reduction <add>, %select_n3A_311, %reduce_sum3A_312 [0] : vector<1200x200xf32> to vector<200xf32>
    %broadcast_in_dim3A_314 = vector.shape_cast %reduce_sum3A_313 : vector<200xf32> to vector<1x200xf32>
    %swap3A_315 = arith.constant 0 : index
    %swap3A_316 = arith.constant 0 : index
    %swap3A_317 = vector.load %arg8[%swap3A_315, %swap3A_316] : memref<1x200xf32, #tpu.memory_space<vmem>>, vector<1x200xf32>
    tpu.vector_store %arg8[%swap3A_315, %swap3A_316], %broadcast_in_dim3A_314 {strides = array<i32>} : memref<1x200xf32, #tpu.memory_space<vmem>>, vector<1x200xf32>,
    %swap3A_318 = arith.constant 0 : index
    %swap3A_319 = arith.constant 0 : index
    %swap3A_320 = vector.load %arg9[%swap3A_318, %swap3A_319] : memref<1x200xf32, #tpu.memory_space<vmem>>, vector<1x200xf32>
    tpu.vector_store %arg9[%swap3A_318, %swap3A_319], %broadcast_in_dim3A_139 {strides = array<i32>} : memref<1x200xf32, #tpu.memory_space<vmem>>, vector<1x200xf32>,
    return
  }
}

</mosaic_0001>

<sc_bundles>
// kernel: gather_offload_async_start.1
scs
__scs_entry_jumppad:
0x0: {  	(pc) =	sbr.rel $0x88, $3  }
0x1: {  	(tag) =	ssettag $0x0;
	lr =	simm.s32 $0x1  }
0x2: {  	[smem:$0x3F9F] =	sst lr;
	_ =	strace $0xD0000000  }
0x3: {  	_ = 	snop  }
0x4: {  	_ = 	snop  }
0x5: {  	_ = 	snop  }
0x6: {  	_ = 	snop  }
0x7: {  	_ = 	snop  }
__scs_overlays_trampoline_lowered:
0x8: {  	[smem:$0x3FAE] =	sst s0  }
0x9: {  	[smem:$0x3FAF] =	sst s1  }
0xa: {  	[smem:$0x3FB0] =	sst s2  }
0xb: {  	[smem:$0x3FB1] =	sst s3  }
0xc: {  	[smem:$0x3FB2] =	sst s4  }
0xd: {  	[smem:$0x3FB3] =	sst s5  }
0xe: {  	[smem:$0x3FB4] =	sst s6  }
0xf: {  	[smem:$0x3FB5] =	sst s7  }
0x10: {  	[smem:$0x3FB6] =	sst s8  }
0x11: {  	[smem:$0x3FB7] =	sst s9;
	s0 =	simm.s32 @!p0 $0x0  }
0x12: {  	s1 =	sld [smem:$0x3F9D];
	s0 =	simm.s32 @p0 $0x1  }
0x13: {  	[smem:$0x3FB8] =	sst s0;
	s0 =	simm.s32 @!p1 $0x0  }
0x14: {  	s2 =	sld [smem:$0x3F9C];
	s0 =	simm.s32 @p1 $0x1  }
0x15: {  	[smem:$0x3FB9] =	sst s0;
	s0 =	simm.s32 @!p2 $0x0  }
0x16: {  	s3 =	sld [smem:$0x3FDB];
	s0 =	simm.s32 @p2 $0x1  }
0x17: {  	s4 =	simm.s32 $0x1BF5;
	[smem:$0x3FBB] =	sst s0  }
0x18: {  	s0 =	sld [smem:$0x3F9E];
	_ =	swait.ge [sflag:s4], $0x0  }
0x19: {  	s7 =	sld [smem:$0x3F9F]  }
0x1a: {  	s8 =	sadd.s32 $0xFFFFE003, lr  }
0x1b: {  	s9 =	sadd.s32 $0xFFFFFEF7, lr;
	s5 =	simm.s32 $0xFFFFFFFF;
	p2 =	slt.u32 s8, $0xFFFFF086  }
0x1c: {  	p1 =	slt.u32 s9, $0xF7A;
	s5 =	simm.s32 @!p2 $0x0  }
0x1d: {  	s5 =	simm.s32 @p1 $0x1;
	p0 =	seq.s32 s7, s2  }
0x1e: {  	s7 =	smul.u32 @!p0 $0xF7A, s2;
	p2 =	seq.s32 @!p0 s5, $0x0  }
0x1f: {  	s9 =	smul.u32 $0xF7A, s1;
	s8 =	simm.s32 @!p0 $0x1BF5;
	p2 =	por !p2, p0  }
0x20: {  	[sflag:s8] =	ssyncset.s32 @!p0 $0xFFFFF086;
	s6 =	sadd.s32 @!p0 s3, s7;
	s7 =	simm.s32 @!p0 $0x108  }
0x21: {  	s3 =	sadd.s32 s3, s9;
	s6 =	sadd.s32 @!p0 $0x88, s6;
	s7 =	simm.s32 @p2 $0x1082  }
0x22: {  	[simem:s7], [sflag:s8] =	dma.local @!p0 [hbm:s6], $0xF7A  }
0x23: {  	s9 =	sor.u32 $0xD0000000, s2;
	s6 =	simm.s32 $0x108;
	_ =	swait.ge @!p0 [sflag:s8], $0x0  }
0x24: {  	s3 =	sadd.s32 $0x88, s3;
	s6 =	simm.s32 @!p1 $0x1082;
	[sflag:s4] =	ssyncset.s32 $0xFFFFF086  }
0x25: {  	[simem:s6], [sflag:s4] =	dma.local [hbm:s3], $0xF7A  }
0x26: {  	[smem:$0x3F9F] =	sst s1;
	(tag) =	ssettag s2;
	_ =	strace s9  }
0x27: {  	s1 =	sld [smem:$0x3FAF]  }
0x28: {  	s2 =	sld [smem:$0x3FB0]  }
0x29: {  	s4 =	sld [smem:$0x3FB2]  }
0x2a: {  	p0 =	seq.s32 s5, $0x0;
	s5 =	sld [smem:$0x3FB3]  }
0x2b: {  	s6 =	sld [smem:$0x3FB4]  }
0x2c: {  	s7 =	sld [smem:$0x3FB5]  }
0x2d: {  	s3 =	simm.s32 $0x108;
	s8 =	sld [smem:$0x3FB6]  }
0x2e: {  	s3 =	simm.s32 @!p0 $0x1082;
	s9 =	sld [smem:$0x3FB7]  }
0x2f: {  	lr =	sadd.s32 s0, s3;
	s0 =	sld [smem:$0x3FAE]  }
0x30: {  	s3 =	sld [smem:$0x3FB1]  }
0x31: {  	[smem:$0x3FBA] =	sst s10  }
0x32: {  	s10 =	sld [smem:$0x3FB8];
	_ =	sdelay $0x3  }
0x33: {  	p0 =	seq.s32 s10, $0x1;
	s10 =	sld [smem:$0x3FBA];
	_ =	sdelay $0x3  }
0x34: {  	[smem:$0x3FBA] =	sst s10  }
0x35: {  	s10 =	sld [smem:$0x3FB9];
	_ =	sdelay $0x3  }
0x36: {  	p1 =	seq.s32 s10, $0x1;
	s10 =	sld [smem:$0x3FBA];
	_ =	sdelay $0x3  }
0x37: {  	[smem:$0x3FBA] =	sst s10  }
0x38: {  	s10 =	sld [smem:$0x3FBB]  }
0x39: {  	_ = 	snop;
	(pc) =	sbr.ind lr, $3  }
0x3a: {  	_ = 	snop  }
0x3b: {  	_ = 	snop  }
0x3c: {  	p2 =	seq.s32 s10, $0x1;
	s10 =	sld [smem:$0x3FBA]  }
0x3d: {  	_ =	shalt  }
0x3e: {  	_ =	shalt  }
0x3f: {  	_ =	shalt  }
0x40: {  	_ =	shalt  }
0x41: {  	_ =	shalt  }
0x42: {  	_ =	shalt  }
0x43: {  	_ =	shalt  }
0x44: {  	_ =	shalt  }
0x45: {  	_ =	shalt  }
0x46: {  	_ =	shalt  }
0x47: {  	_ =	shalt  }
0x48: {  	_ =	shalt  }
0x49: {  	_ =	shalt  }
0x4a: {  	_ =	shalt  }
0x4b: {  	_ =	shalt  }
0x4c: {  	_ =	shalt  }
0x4d: {  	_ =	shalt  }
0x4e: {  	_ =	shalt  }
0x4f: {  	_ =	shalt  }
0x50: {  	_ =	shalt  }
0x51: {  	_ =	shalt  }
0x52: {  	_ =	shalt  }
0x53: {  	_ =	shalt  }
0x54: {  	_ =	shalt  }
0x55: {  	_ =	shalt  }
0x56: {  	_ =	shalt  }
0x57: {  	_ =	shalt  }
0x58: {  	_ =	shalt  }
0x59: {  	_ =	shalt  }
0x5a: {  	_ =	shalt  }
0x5b: {  	_ =	shalt  }
0x5c: {  	_ =	shalt  }
0x5d: {  	_ =	shalt  }
0x5e: {  	_ =	shalt  }
0x5f: {  	_ =	shalt  }
0x60: {  	_ =	shalt  }
0x61: {  	_ =	shalt  }
0x62: {  	_ =	shalt  }
0x63: {  	_ =	shalt  }
0x64: {  	_ =	shalt  }
0x65: {  	_ =	shalt  }
0x66: {  	_ =	shalt  }
0x67: {  	_ =	shalt  }
0x68: {  	_ =	shalt  }
0x69: {  	_ =	shalt  }
0x6a: {  	_ =	shalt  }
0x6b: {  	_ =	shalt  }
0x6c: {  	_ =	shalt  }
0x6d: {  	_ =	shalt  }
0x6e: {  	_ =	shalt  }
0x6f: {  	_ =	shalt  }
0x70: {  	_ =	shalt  }
0x71: {  	_ =	shalt  }
0x72: {  	_ =	shalt  }
0x73: {  	_ =	shalt  }
0x74: {  	_ =	shalt  }
0x75: {  	_ =	shalt  }
0x76: {  	_ =	shalt  }
0x77: {  	_ =	shalt  }
0x78: {  	_ =	shalt  }
0x79: {  	_ =	shalt  }
0x7a: {  	_ =	shalt  }
0x7b: {  	_ =	shalt  }
0x7c: {  	_ =	shalt  }
0x7d: {  	_ =	shalt  }
0x7e: {  	_ =	shalt  }
0x7f: {  	_ =	shalt  }
0x80: {  	_ =	shalt  }
0x81: {  	_ =	shalt  }
0x82: {  	_ =	shalt  }
0x83: {  	_ =	shalt  }
0x84: {  	_ =	shalt  }
0x85: {  	_ =	shalt  }
0x86: {  	_ =	shalt  }
0x87: {  	_ =	shalt  }
.Lfunc_end0:
.L_simem_size_0:
called_computation.1_lowered:
.L_overlay_start_0:
0x88: {  	s0 =	sld [smem:$0x3FD9]  }
0x89: {  	s1 =	sld [smem:$0x3FFE];
	_ =	sdelay $0x3  }
0x8a: {  	s0 =	sadd.s32 s1, s0  }
0x8b: {  	[smem:$0x3FC6] =	sst s0  }
0x8c: {  	_ = 	snop  }
0x8d: {  	(tm) =	ssettm $0x1  }
0x8e: {  	s15 =	sld [smem:$0x3FFB];
	_ =	sdelay $0x3  }
0x8f: {  	_ =	strace s15  }
0x90: {  	s0 =	sld [smem:$0x3FFC];
	_ =	sdelay $0x3  }
0x91: {  	_ =	strace s0  }
0x92: {  	s0 =	sld [smem:$0x3FFD];
	_ =	sdelay $0x3  }
0x93: {  	_ =	strace s0  }
0x94: {  	_ =	strace $0x8FFFFFFF  }
0x95: {  	s16 =	sld [smem:$0x3FDB];
	_ =	sdelay $0x1  }
0x96: {  	s17 =	simm.s32 $_scs_section_size  }
0x97: {  	s2 =	simm.s32 $_size__tile_overlayer_lowered;
	s3 =	simm.s32 $_tile_overlayer_lowered  }
0x98: {  	s20 =	simm.s32 $0x1BFF;
	s19 =	sshll.u32 s3, $0x1;
	s0 =	sadd.s32 s17, s16  }
0x99: {  	s4 =	simm.s32 $0x0;
	s18 =	sshll.u32 s2, $0x1;
	s2 =	sadd.s32 s19, s0  }
0x9a: {  	[timem:s4], [sflag:s20] =	dma.local [hbm:s2], s18  }
0x9b: {  	_ =	swait.ge [sflag:s20], s18  }
0x9c: {  	s1 =	ssub.s32 $0x0, s18;
	[sflag:s20] =	ssyncset.done $0x0  }
0x9d: {  	[sflag:s20] =	ssyncadd.s32 s1;
	_ =	sdelay $0x1  }
0x9e: {  	s21 =	simm.s32 $0x1B8B  }
0x9f: {  	_ =	swait.ge [sflag:s21], $0x1  }
0xa0: {  	[sflag:s21] =	ssyncset.done $0x0  }
0xa1: {  	s23 =	simm.s32 $0x1B8E;
	s22 =	sld [smem:$0x3FFE];
	[sflag:s21] =	ssyncadd.s32 $0xFFFFFFFF  }
0xa2: {  	s24 =	simm.s32 $execute0_lowered;
	[smem:$0x3FD2] =	sst s23  }
0xa3: {  	s2 =	sshll.u32 s24, $0x1;
	_ =	strace $0x8000004F;
	[dreg:$0x1] =	wrdreg $0xFFFFFFFF  }
0xa4: {  	s25 =	simm.s32 $_size_execute0_lowered;
	s0 =	sadd.s32 s0, s2;
	[dreg:$0x0] =	wrdreg $0x0  }
0xa5: {  	s2 =	sshll.u32 s25, $0x1;
	[dreg:$0x2] =	wrdreg s0  }
0xa6: {  	[dreg:$0x3] =	wrdreg s2  }
0xa7: {  	[dreg:$0x4] =	wrdreg $0xC0  }
0xa8: {  	_ =	task [dreg:s4], $0x5FFFF  }
0xa9: {  	[dreg:$0x1] =	wrdreg $0xFFFFFFFF  }
0xaa: {  	[dreg:$0x0] =	wrdreg $0x60  }
0xab: {  	[dreg:$0x2] =	wrdreg s22  }
0xac: {  	[dreg:$0x3] =	wrdreg $0xA  }
0xad: {  	_ =	task.clear_ibuf [dreg:s4], $0x4FFFF;
	_ =	strace $0x9000004F  }
0xae: {  	s26 =	simm.s32 $0xA;
	_ =	strace $0x80000051  }
0xaf: {  	_ =	swait.ge [sflag:s26], $0x1  }
0xb0: {  	[sflag:s26] =	ssyncadd.s32 $0xFFFFFFFF  }
0xb1: {  	_ =	strace $0x90000051  }
0xb2: {  	_ =	sfence  }
0xb3: {  	s28 =	sld [smem:$0x0];
	_ =	sdelay $0x1  }
0xb4: {  	s29 =	srdreg.scid  }
0xb5: {  	s30 =	sshll.u32 s29, $0xD;
	s31 =	sshrl.u32 s29, $0x2  }
0xb6: {  	s1 =	sand.u32 $0x1, s29;
	s2 =	sand.u32 $0x4000, s30;
	s0 =	sadd.s32 s31, s28  }
0xb7: {  	s1 =	sor.u32 s2, s1;
	s0 =	sshll.u32 s0, $0x11  }
0xb8: {  	s0 =	sor.u32 s0, s1  }
0xb9: {  	s0 =	sadd.s32 $0x8F2B, s0  }
0xba: {  	[sflag:s0] =	ssyncadd.remote.s32 $0x1  }
0xbb: {  	_ =	sfence.sel $0xFFFF  }
0xbc: {  	[dreg:$0x0] =	wrdreg $0xFFFFFFFF;
	(pc) =	sbr.abs _section_cstart, $3  }
0xbd: {  	[dreg:$0x1] =	wrdreg $0xFFFFFFFF  }
0xbe: {  	_ =	task.clear_ibuf [dreg:s4], $0x2FFFF;
	_ =	strace $0x9FFFFFFF  }
0xbf: {  	(tm) =	ssettm $0x7FFFFFFF  }
tec
execute0_lowered:
.L_overlay_start_1:
0x0: {  	(tag) =	ssettag $0x1  }
0x1: {  	s2 =	rddreg [dreg:$0x0]  }
0x2: {  	s0 =	rddreg [dreg:$0x1]  }
0x3: {  	_ =	strace $0x80000050;
	s4 =	simm.s32 $0x1;
	s1 =	stileid.u32  }
0x4: {  	s7 =	simm.s32 $0x1;
	s8 =	simm.s32 $0x1;
	s6 =	simm.s32 $0x2  }
0x5: {  	s9 =	simm.s32 $0x3;
	s10 =	simm.s32 $0x0;
	s13 =	simm.s32 $0x0  }
.Ltmp0:
0x6: {  	s12 =	simm.s32 $0x0;
	p0 =	slt.u32 s1, $0xA;
	(pc) =	sbr.rel .LBB2_1-.Ltmp0, $4  }
0x7: {  	[sflag:s4] =	ssyncpa.u1 $0x0;
	s7 =	simm.s32 @!p0 $0x0;
	p0 =	sne.s32 s1, $0x9  }
0x8: {  	s5 =	smul.u32 $0x30, s1;
	[sflag:s6] =	ssyncpa.u1 $0x0;
	s8 =	simm.s32 @!p0 $0x0  }
0x9: {  	s3 =	sadd.s32 $0x200, s2;
	[sflag:s9] =	ssyncpa.u1 $0x0;
	s7 =	sadd.s32 s8, s7  }
0xa: {  	vm0 =	vmmov $0xffff;
	s11 =	smov.u32 s5;
	s8 =	sadd.s32 $0x5400, s2;
	s9 =	sadd.s32 $0x1, s7  }
.LBB2_4:
0xb: {  	v0 =	vnsel vm1, $0x0, v0  }
0xc: {  	v0 =	vmin.u32 v0, $0x4AF;
	_ =	sdelay $0x3  }
0xd: {  	(ifvalue) =	ssetifvalue $0x7FFFFFFF;
	s15 =	sadd.s32 $0x10, s15  }
0xe: {  	[tilespmem:s15], [sflag:$0x1] =	stream.indirect_vreg.gather [hbm4b:s3+s10], $0x1, v0, vm0, $0x4038;
	[tilespmem:$0xC0] =	vst v63  }
0xf: {  	_ =	swait.ge [sflag:s4], $0x30  }
0x10: {  	s30 =	sshrl.u32 s13, $0x3;
	[sflag:s4] =	ssyncset.done $0x0  }
0x11: {  	s31 =	sand.u32 $0x7, s13;
	s15 =	sadd.s32 s8, s30;
	[sflag:s4] =	ssyncadd.s32 $0xFFFFFFD0  }
0x12: {  	[hbm4b:s15+s31] =	stream.linear.scatter [tilespmem:s14], [sflag:$0x3], $0x30, $0x38;
	[tilespmem:$0xC0] =	vst v63  }
.LBB2_5:
0x13: {  	s15 =	sadd.s32 $0x300, s11  }
0x14: {  	p1 =	sgt.s32 s15, $0x4AF  }
0x15: {  	s15 =	smov.u32 @p1 s5;
	p1 =	sne.s32 s12, s9  }
.Ltmp1:
0x16: {  	p0 =	slt.u32 s12, $0x2;
	(pc) =	sbr.rel @!p1 .LBB2_6-.Ltmp1, $4  }
0x17: {  	s14 =	simm.s32 @!p0 $0x3  }
0x18: {  	_ =	swait.ge @!p0 [sflag:s14], $0x30  }
0x19: {  	s16 =	sadd.s32 $0x1, s12;
	s13 =	smov.u32 s11;
	[sflag:s14] =	ssyncset.done @!p0 $0x0  }
0x1a: {  	s12 =	smov.u32 s16;
	s11 =	smov.u32 s15;
	[sflag:s14] =	ssyncadd.s32 @!p0 $0xFFFFFFD0  }
.LBB2_1:
0x1b: {  	p0 =	sge.u32 s12, s7  }
0x1c: {  	s14 =	sxor.u32 @!p0 $0x1, s12  }
0x1d: {  	s14 =	smul.u32 @!p0 $0xC0, s14  }
0x1e: {  	s31 =	sadd.s32 $0xFFFFFFFF, s12;
	s15 =	sshrl.u32 @!p0 s11, $0x3  }
0x1f: {  	s16 =	sand.u32 @!p0 $0x7, s11;
	s15 =	sadd.s32 @!p0 s2, s15;
	s14 =	sshra.s32 @!p0 s14, $0x2  }
0x20: {  	[tilespmem:s14], [sflag:$0x2] =	stream.linear.gather @!p0 [hbm4b:s15+s16], $0x30, $0x38;
	[tilespmem:$0xC0] =	vst v63  }
0x21: {  	p0 =	sge.u32 s31, s7  }
.Ltmp2:
0x22: {  	_ = 	snop;
	(pc) =	sbr.rel @p0 .LBB2_5-.Ltmp2, $1  }
0x23: {  	_ =	sdelay $0x3  }
0x24: {  	s14 =	sand.u32 $0x1, s12  }
0x25: {  	_ =	swait.ge [sflag:s6], $0x30;
	p0 =	seq.s32 s14, $0x1;
	s14 =	simm.s32 $0x30  }
0x26: {  	[sflag:s6] =	ssyncset.done $0x0;
	s14 =	simm.s32 @!p0 $0x0  }
0x27: {  	[sflag:s6] =	ssyncadd.s32 $0xFFFFFFD0;
	(ifvalue) =	ssetifvalue $0x7FFFFFFF;
	v0 =	vld.msk [tilespmem:s14+$0x0 ss:$0x1], $0xffff;
	_ =	sdelay $0x4  }
0x28: {  	vm1 =	vgt.s32 v0, $0x0  }
0x29: {  	s15 =	sadd.s32 $0x10, s14;
	v0 =	vnsel vm1, $0x0, v0  }
0x2a: {  	v1 =	vmin.u32 v0, $0x4AF;
	v0 =	vld.msk [tilespmem:s15+$0x0 ss:$0x1], $0xffff;
	_ =	sdelay $0x2  }
0x2b: {  	s16 =	simm.s32 $0x10;
	s14 =	sadd.s32 $0x60, s14  }
0x2c: {  	s17 =	sadd.s32 $0x10, s15;
	(ifvalue) =	ssetifvalue $0x7FFFFFFF;
	s15 =	smov.u32 s14  }
0x2d: {  	[tilespmem:s14], [sflag:$0x1] =	stream.indirect_vreg.gather [hbm4b:s3+s10], $0x1, v1, vm0, $0x4038;
	vm1 =	vgt.s32 v0, $0x0;
	[tilespmem:$0xC0] =	vst v63  }
.LBB2_3:
0x2e: {  	s16 =	sadd.s32 $0x10, s16;
	v1 =	vnsel vm1, $0x0, v0;
	v0 =	vld.msk [tilespmem:s17+$0x0 ss:$0x1], $0xffff  }
0x2f: {  	p0 =	slt.u32 s16, $0x20;
	v1 =	vmin.u32 v1, $0x4AF  }
.Ltmp3:
0x30: {  	(pc) =	sbr.rel @p0 .LBB2_3-.Ltmp3, $3  }
0x31: {  	_ =	sdelay $0x1  }
0x32: {  	s17 =	sadd.s32 $0x10, s17;
	s15 =	sadd.s32 $0x10, s15;
	(ifvalue) =	ssetifvalue $0x7FFFFFFF  }
0x33: {  	vm1 =	vgt.s32 v0, $0x0;
	[tilespmem:s15], [sflag:$0x1] =	stream.indirect_vreg.gather [hbm4b:s3+s10], $0x1, v1, vm0, $0x4038;
	[tilespmem:$0xC0] =	vst v63  }
.Ltmp4:
0x34: {  	_ = 	snop;
	(pc) =	sbr.rel .LBB2_4-.Ltmp4, $1  }
0x35: {  	_ =	sdelay $0x3  }
.LBB2_6:
0x36: {  	_ =	sfence.sel $0x180000  }
0x37: {  	s2 =	simm.s32 $0x2;
	[bflag:$0x0] =	sbarrier.arrive $0xFFFF  }
0x38: {  	s30 =	simm.s32 $0x3;
	[sflag:s2] =	ssyncpa.u1 $0x1  }
0x39: {  	s31 =	simm.s32 $0x1;
	[sflag:s30] =	ssyncpa.u1 $0x1  }
0x3a: {  	[sflag:s31] =	ssyncpa.u1 $0x1  }
0x3b: {  	p0 =	sne.s32 s1, $0x0;
	_ =	strace $0x90000050  }
0x3c: {  	s0 =	sadd.s32 @!p0 $0x100000, s0;
	[bflag:$0x2] =	sbarrier.arrive $0xFFFF  }
0x3d: {  	[sflag:s0] =	ssyncadd.tile.s32 @!p0 $0x1;
	_ =	shalt  }
.Lfunc_end2:
_tile_overlayer_lowered:
.L_overlay_start_2:
0x3e: {  	(tag) =	ssettag $0x2  }
0x3f: {  	s0 =	rddreg [dreg:$0x0];
	s2 =	stileid.u32  }
0x40: {  	s1 =	rddreg [dreg:$0x1];
	p0 =	sne.s32 s2, $0x0  }
0x41: {  	s3 =	rddreg [dreg:$0x2];
	[bflag:$0x3] =	sbarrier.arrive $0xFFFF;
	s2 =	simm.s32 @!p0 $0x1C01  }
0x42: {  	[timem:s3], [sflag:s2] =	dma.local @!p0 [hbm:s0], s1  }
0x43: {  	s0 =	simm.s32 @!p0 $0x1  }
0x44: {  	_ =	swait.ge @!p0 [sflag:s0], s1  }
0x45: {  	s1 =	ssub.s32 @!p0 $0x0, s1;
	[sflag:s0] =	ssyncset.done @!p0 $0x0  }
0x46: {  	[sflag:s0] =	ssyncadd.s32 @!p0 s1  }
0x47: {  	[bflag:$0x3] =	sbarrier.arrive $0xFFFF  }
0x48: {  	_ =	shalt  }

// kernel: gather_offload_async_start.2
scs
__scs_entry_jumppad:
0x0: {  	(pc) =	sbr.rel $0x88, $3  }
0x1: {  	(tag) =	ssettag $0x0;
	lr =	simm.s32 $0x1  }
0x2: {  	[smem:$0x3F9F] =	sst lr;
	_ =	strace $0xD0000000  }
0x3: {  	_ = 	snop  }
0x4: {  	_ = 	snop  }
0x5: {  	_ = 	snop  }
0x6: {  	_ = 	snop  }
0x7: {  	_ = 	snop  }
__scs_overlays_trampoline_lowered:
0x8: {  	[smem:$0x3FAE] =	sst s0  }
0x9: {  	[smem:$0x3FAF] =	sst s1  }
0xa: {  	[smem:$0x3FB0] =	sst s2  }
0xb: {  	[smem:$0x3FB1] =	sst s3  }
0xc: {  	[smem:$0x3FB2] =	sst s4  }
0xd: {  	[smem:$0x3FB3] =	sst s5  }
0xe: {  	[smem:$0x3FB4] =	sst s6  }
0xf: {  	[smem:$0x3FB5] =	sst s7  }
0x10: {  	[smem:$0x3FB6] =	sst s8  }
0x11: {  	[smem:$0x3FB7] =	sst s9;
	s0 =	simm.s32 @!p0 $0x0  }
0x12: {  	s1 =	sld [smem:$0x3F9D];
	s0 =	simm.s32 @p0 $0x1  }
0x13: {  	[smem:$0x3FB8] =	sst s0;
	s0 =	simm.s32 @!p1 $0x0  }
0x14: {  	s2 =	sld [smem:$0x3F9C];
	s0 =	simm.s32 @p1 $0x1  }
0x15: {  	[smem:$0x3FB9] =	sst s0;
	s0 =	simm.s32 @!p2 $0x0  }
0x16: {  	s3 =	sld [smem:$0x3FDB];
	s0 =	simm.s32 @p2 $0x1  }
0x17: {  	s4 =	simm.s32 $0x1BF5;
	[smem:$0x3FBB] =	sst s0  }
0x18: {  	s0 =	sld [smem:$0x3F9E];
	_ =	swait.ge [sflag:s4], $0x0  }
0x19: {  	s7 =	sld [smem:$0x3F9F]  }
0x1a: {  	s8 =	sadd.s32 $0xFFFFE003, lr  }
0x1b: {  	s9 =	sadd.s32 $0xFFFFFEF7, lr;
	s5 =	simm.s32 $0xFFFFFFFF;
	p2 =	slt.u32 s8, $0xFFFFF086  }
0x1c: {  	p1 =	slt.u32 s9, $0xF7A;
	s5 =	simm.s32 @!p2 $0x0  }
0x1d: {  	s5 =	simm.s32 @p1 $0x1;
	p0 =	seq.s32 s7, s2  }
0x1e: {  	s7 =	smul.u32 @!p0 $0xF7A, s2;
	p2 =	seq.s32 @!p0 s5, $0x0  }
0x1f: {  	s9 =	smul.u32 $0xF7A, s1;
	s8 =	simm.s32 @!p0 $0x1BF5;
	p2 =	por !p2, p0  }
0x20: {  	[sflag:s8] =	ssyncset.s32 @!p0 $0xFFFFF086;
	s6 =	sadd.s32 @!p0 s3, s7;
	s7 =	simm.s32 @!p0 $0x108  }
0x21: {  	s3 =	sadd.s32 s3, s9;
	s6 =	sadd.s32 @!p0 $0x88, s6;
	s7 =	simm.s32 @p2 $0x1082  }
0x22: {  	[simem:s7], [sflag:s8] =	dma.local @!p0 [hbm:s6], $0xF7A  }
0x23: {  	s9 =	sor.u32 $0xD0000000, s2;
	s6 =	simm.s32 $0x108;
	_ =	swait.ge @!p0 [sflag:s8], $0x0  }
0x24: {  	s3 =	sadd.s32 $0x88, s3;
	s6 =	simm.s32 @!p1 $0x1082;
	[sflag:s4] =	ssyncset.s32 $0xFFFFF086  }
0x25: {  	[simem:s6], [sflag:s4] =	dma.local [hbm:s3], $0xF7A  }
0x26: {  	[smem:$0x3F9F] =	sst s1;
	(tag) =	ssettag s2;
	_ =	strace s9  }
0x27: {  	s1 =	sld [smem:$0x3FAF]  }
0x28: {  	s2 =	sld [smem:$0x3FB0]  }
0x29: {  	s4 =	sld [smem:$0x3FB2]  }
0x2a: {  	p0 =	seq.s32 s5, $0x0;
	s5 =	sld [smem:$0x3FB3]  }
0x2b: {  	s6 =	sld [smem:$0x3FB4]  }
0x2c: {  	s7 =	sld [smem:$0x3FB5]  }
0x2d: {  	s3 =	simm.s32 $0x108;
	s8 =	sld [smem:$0x3FB6]  }
0x2e: {  	s3 =	simm.s32 @!p0 $0x1082;
	s9 =	sld [smem:$0x3FB7]  }
0x2f: {  	lr =	sadd.s32 s0, s3;
	s0 =	sld [smem:$0x3FAE]  }
0x30: {  	s3 =	sld [smem:$0x3FB1]  }
0x31: {  	[smem:$0x3FBA] =	sst s10  }
0x32: {  	s10 =	sld [smem:$0x3FB8];
	_ =	sdelay $0x3  }
0x33: {  	p0 =	seq.s32 s10, $0x1;
	s10 =	sld [smem:$0x3FBA];
	_ =	sdelay $0x3  }
0x34: {  	[smem:$0x3FBA] =	sst s10  }
0x35: {  	s10 =	sld [smem:$0x3FB9];
	_ =	sdelay $0x3  }
0x36: {  	p1 =	seq.s32 s10, $0x1;
	s10 =	sld [smem:$0x3FBA];
	_ =	sdelay $0x3  }
0x37: {  	[smem:$0x3FBA] =	sst s10  }
0x38: {  	s10 =	sld [smem:$0x3FBB]  }
0x39: {  	_ = 	snop;
	(pc) =	sbr.ind lr, $3  }
0x3a: {  	_ = 	snop  }
0x3b: {  	_ = 	snop  }
0x3c: {  	p2 =	seq.s32 s10, $0x1;
	s10 =	sld [smem:$0x3FBA]  }
0x3d: {  	_ =	shalt  }
0x3e: {  	_ =	shalt  }
0x3f: {  	_ =	shalt  }
0x40: {  	_ =	shalt  }
0x41: {  	_ =	shalt  }
0x42: {  	_ =	shalt  }
0x43: {  	_ =	shalt  }
0x44: {  	_ =	shalt  }
0x45: {  	_ =	shalt  }
0x46: {  	_ =	shalt  }
0x47: {  	_ =	shalt  }
0x48: {  	_ =	shalt  }
0x49: {  	_ =	shalt  }
0x4a: {  	_ =	shalt  }
0x4b: {  	_ =	shalt  }
0x4c: {  	_ =	shalt  }
0x4d: {  	_ =	shalt  }
0x4e: {  	_ =	shalt  }
0x4f: {  	_ =	shalt  }
0x50: {  	_ =	shalt  }
0x51: {  	_ =	shalt  }
0x52: {  	_ =	shalt  }
0x53: {  	_ =	shalt  }
0x54: {  	_ =	shalt  }
0x55: {  	_ =	shalt  }
0x56: {  	_ =	shalt  }
0x57: {  	_ =	shalt  }
0x58: {  	_ =	shalt  }
0x59: {  	_ =	shalt  }
0x5a: {  	_ =	shalt  }
0x5b: {  	_ =	shalt  }
0x5c: {  	_ =	shalt  }
0x5d: {  	_ =	shalt  }
0x5e: {  	_ =	shalt  }
0x5f: {  	_ =	shalt  }
0x60: {  	_ =	shalt  }
0x61: {  	_ =	shalt  }
0x62: {  	_ =	shalt  }
0x63: {  	_ =	shalt  }
0x64: {  	_ =	shalt  }
0x65: {  	_ =	shalt  }
0x66: {  	_ =	shalt  }
0x67: {  	_ =	shalt  }
0x68: {  	_ =	shalt  }
0x69: {  	_ =	shalt  }
0x6a: {  	_ =	shalt  }
0x6b: {  	_ =	shalt  }
0x6c: {  	_ =	shalt  }
0x6d: {  	_ =	shalt  }
0x6e: {  	_ =	shalt  }
0x6f: {  	_ =	shalt  }
0x70: {  	_ =	shalt  }
0x71: {  	_ =	shalt  }
0x72: {  	_ =	shalt  }
0x73: {  	_ =	shalt  }
0x74: {  	_ =	shalt  }
0x75: {  	_ =	shalt  }
0x76: {  	_ =	shalt  }
0x77: {  	_ =	shalt  }
0x78: {  	_ =	shalt  }
0x79: {  	_ =	shalt  }
0x7a: {  	_ =	shalt  }
0x7b: {  	_ =	shalt  }
0x7c: {  	_ =	shalt  }
0x7d: {  	_ =	shalt  }
0x7e: {  	_ =	shalt  }
0x7f: {  	_ =	shalt  }
0x80: {  	_ =	shalt  }
0x81: {  	_ =	shalt  }
0x82: {  	_ =	shalt  }
0x83: {  	_ =	shalt  }
0x84: {  	_ =	shalt  }
0x85: {  	_ =	shalt  }
0x86: {  	_ =	shalt  }
0x87: {  	_ =	shalt  }
.Lfunc_end0:
.L_simem_size_0:
called_computation.2_lowered:
.L_overlay_start_0:
0x88: {  	s0 =	sld [smem:$0x3FD9]  }
0x89: {  	s1 =	sld [smem:$0x3FFE];
	_ =	sdelay $0x3  }
0x8a: {  	s0 =	sadd.s32 s1, s0  }
0x8b: {  	[smem:$0x3FC6] =	sst s0  }
0x8c: {  	_ = 	snop  }
0x8d: {  	(tm) =	ssettm $0x1  }
0x8e: {  	s15 =	sld [smem:$0x3FFB];
	_ =	sdelay $0x3  }
0x8f: {  	_ =	strace s15  }
0x90: {  	s0 =	sld [smem:$0x3FFC];
	_ =	sdelay $0x3  }
0x91: {  	_ =	strace s0  }
0x92: {  	s0 =	sld [smem:$0x3FFD];
	_ =	sdelay $0x3  }
0x93: {  	_ =	strace s0  }
0x94: {  	_ =	strace $0x8FFFFFFF  }
0x95: {  	s16 =	sld [smem:$0x3FDB];
	_ =	sdelay $0x1  }
0x96: {  	s17 =	simm.s32 $_scs_section_size  }
0x97: {  	s2 =	simm.s32 $_size__tile_overlayer_lowered;
	s3 =	simm.s32 $_tile_overlayer_lowered  }
0x98: {  	s20 =	simm.s32 $0x1BFF;
	s19 =	sshll.u32 s3, $0x1;
	s0 =	sadd.s32 s17, s16  }
0x99: {  	s4 =	simm.s32 $0x0;
	s18 =	sshll.u32 s2, $0x1;
	s2 =	sadd.s32 s19, s0  }
0x9a: {  	[timem:s4], [sflag:s20] =	dma.local [hbm:s2], s18  }
0x9b: {  	_ =	swait.ge [sflag:s20], s18  }
0x9c: {  	s1 =	ssub.s32 $0x0, s18;
	[sflag:s20] =	ssyncset.done $0x0  }
0x9d: {  	[sflag:s20] =	ssyncadd.s32 s1;
	_ =	sdelay $0x1  }
0x9e: {  	s21 =	simm.s32 $0x1B8B  }
0x9f: {  	_ =	swait.ge [sflag:s21], $0x1  }
0xa0: {  	[sflag:s21] =	ssyncset.done $0x0  }
0xa1: {  	s23 =	simm.s32 $0x1B8E;
	s22 =	sld [smem:$0x3FFE];
	[sflag:s21] =	ssyncadd.s32 $0xFFFFFFFF  }
0xa2: {  	s24 =	simm.s32 $execute0_lowered;
	[smem:$0x3FD2] =	sst s23  }
0xa3: {  	s2 =	sshll.u32 s24, $0x1;
	_ =	strace $0x8000004C;
	[dreg:$0x1] =	wrdreg $0xFFFFFFFF  }
0xa4: {  	s25 =	simm.s32 $_size_execute0_lowered;
	s0 =	sadd.s32 s0, s2;
	[dreg:$0x0] =	wrdreg $0x0  }
0xa5: {  	s2 =	sshll.u32 s25, $0x1;
	[dreg:$0x2] =	wrdreg s0  }
0xa6: {  	[dreg:$0x3] =	wrdreg s2  }
0xa7: {  	[dreg:$0x4] =	wrdreg $0xC0  }
0xa8: {  	_ =	task [dreg:s4], $0x5FFFF  }
0xa9: {  	[dreg:$0x1] =	wrdreg $0xFFFFFFFF  }
0xaa: {  	[dreg:$0x0] =	wrdreg $0x60  }
0xab: {  	[dreg:$0x2] =	wrdreg s22  }
0xac: {  	[dreg:$0x3] =	wrdreg $0xB  }
0xad: {  	_ =	task.clear_ibuf [dreg:s4], $0x4FFFF;
	_ =	strace $0x9000004C  }
0xae: {  	s26 =	simm.s32 $0xB;
	_ =	strace $0x8000004E  }
0xaf: {  	_ =	swait.ge [sflag:s26], $0x1  }
0xb0: {  	[sflag:s26] =	ssyncadd.s32 $0xFFFFFFFF  }
0xb1: {  	_ =	strace $0x9000004E  }
0xb2: {  	_ =	sfence  }
0xb3: {  	s28 =	sld [smem:$0x0];
	_ =	sdelay $0x1  }
0xb4: {  	s29 =	srdreg.scid  }
0xb5: {  	s30 =	sshll.u32 s29, $0xD;
	s31 =	sshrl.u32 s29, $0x2  }
0xb6: {  	s1 =	sand.u32 $0x1, s29;
	s2 =	sand.u32 $0x4000, s30;
	s0 =	sadd.s32 s31, s28  }
0xb7: {  	s1 =	sor.u32 s2, s1;
	s0 =	sshll.u32 s0, $0x11  }
0xb8: {  	s0 =	sor.u32 s0, s1  }
0xb9: {  	s0 =	sadd.s32 $0x8F2B, s0  }
0xba: {  	[sflag:s0] =	ssyncadd.remote.s32 $0x1  }
0xbb: {  	_ =	sfence.sel $0xFFFF  }
0xbc: {  	[dreg:$0x0] =	wrdreg $0xFFFFFFFF;
	(pc) =	sbr.abs _section_cstart, $3  }
0xbd: {  	[dreg:$0x1] =	wrdreg $0xFFFFFFFF  }
0xbe: {  	_ =	task.clear_ibuf [dreg:s4], $0x2FFFF;
	_ =	strace $0x9FFFFFFF  }
0xbf: {  	(tm) =	ssettm $0x7FFFFFFF  }
tec
execute0_lowered:
.L_overlay_start_1:
0x0: {  	(tag) =	ssettag $0x1  }
0x1: {  	s2 =	rddreg [dreg:$0x0]  }
0x2: {  	s0 =	rddreg [dreg:$0x1]  }
0x3: {  	_ =	strace $0x8000004D;
	s4 =	simm.s32 $0x1;
	s1 =	stileid.u32  }
0x4: {  	s7 =	simm.s32 $0x1;
	s8 =	simm.s32 $0x1;
	s6 =	simm.s32 $0x2  }
0x5: {  	s9 =	simm.s32 $0x3;
	s10 =	simm.s32 $0x0;
	s13 =	simm.s32 $0x0  }
.Ltmp0:
0x6: {  	s12 =	simm.s32 $0x0;
	p0 =	slt.u32 s1, $0xA;
	(pc) =	sbr.rel .LBB2_1-.Ltmp0, $4  }
0x7: {  	[sflag:s4] =	ssyncpa.u1 $0x0;
	s7 =	simm.s32 @!p0 $0x0;
	p0 =	sne.s32 s1, $0x9  }
0x8: {  	s5 =	smul.u32 $0x30, s1;
	[sflag:s6] =	ssyncpa.u1 $0x0;
	s8 =	simm.s32 @!p0 $0x0  }
0x9: {  	s3 =	sadd.s32 $0x400, s2;
	[sflag:s9] =	ssyncpa.u1 $0x0;
	s7 =	sadd.s32 s8, s7  }
0xa: {  	vm0 =	vmmov $0xffff;
	s11 =	smov.u32 s5;
	s8 =	sadd.s32 $0x5200, s2;
	s9 =	sadd.s32 $0x1, s7  }
.LBB2_4:
0xb: {  	v0 =	vnsel vm1, $0x0, v0  }
0xc: {  	v0 =	vmin.u32 v0, $0x4AF;
	_ =	sdelay $0x3  }
0xd: {  	(ifvalue) =	ssetifvalue $0x7FFFFFFF;
	s15 =	sadd.s32 $0x10, s15  }
0xe: {  	[tilespmem:s15], [sflag:$0x1] =	stream.indirect_vreg.gather [hbm4b:s3+s10], $0x1, v0, vm0, $0x4038;
	[tilespmem:$0xC0] =	vst v63  }
0xf: {  	_ =	swait.ge [sflag:s4], $0x30  }
0x10: {  	s30 =	sshrl.u32 s13, $0x3;
	[sflag:s4] =	ssyncset.done $0x0  }
0x11: {  	s31 =	sand.u32 $0x7, s13;
	s15 =	sadd.s32 s8, s30;
	[sflag:s4] =	ssyncadd.s32 $0xFFFFFFD0  }
0x12: {  	[hbm4b:s15+s31] =	stream.linear.scatter [tilespmem:s14], [sflag:$0x3], $0x30, $0x38;
	[tilespmem:$0xC0] =	vst v63  }
.LBB2_5:
0x13: {  	s15 =	sadd.s32 $0x300, s11  }
0x14: {  	p1 =	sgt.s32 s15, $0x4AF  }
0x15: {  	s15 =	smov.u32 @p1 s5;
	p1 =	sne.s32 s12, s9  }
.Ltmp1:
0x16: {  	p0 =	slt.u32 s12, $0x2;
	(pc) =	sbr.rel @!p1 .LBB2_6-.Ltmp1, $4  }
0x17: {  	s14 =	simm.s32 @!p0 $0x3  }
0x18: {  	_ =	swait.ge @!p0 [sflag:s14], $0x30  }
0x19: {  	s16 =	sadd.s32 $0x1, s12;
	s13 =	smov.u32 s11;
	[sflag:s14] =	ssyncset.done @!p0 $0x0  }
0x1a: {  	s12 =	smov.u32 s16;
	s11 =	smov.u32 s15;
	[sflag:s14] =	ssyncadd.s32 @!p0 $0xFFFFFFD0  }
.LBB2_1:
0x1b: {  	p0 =	sge.u32 s12, s7  }
0x1c: {  	s14 =	sxor.u32 @!p0 $0x1, s12  }
0x1d: {  	s14 =	smul.u32 @!p0 $0xC0, s14  }
0x1e: {  	s31 =	sadd.s32 $0xFFFFFFFF, s12;
	s15 =	sshrl.u32 @!p0 s11, $0x3  }
0x1f: {  	s16 =	sand.u32 @!p0 $0x7, s11;
	s15 =	sadd.s32 @!p0 s2, s15;
	s14 =	sshra.s32 @!p0 s14, $0x2  }
0x20: {  	[tilespmem:s14], [sflag:$0x2] =	stream.linear.gather @!p0 [hbm4b:s15+s16], $0x30, $0x38;
	[tilespmem:$0xC0] =	vst v63  }
0x21: {  	p0 =	sge.u32 s31, s7  }
.Ltmp2:
0x22: {  	_ = 	snop;
	(pc) =	sbr.rel @p0 .LBB2_5-.Ltmp2, $1  }
0x23: {  	_ =	sdelay $0x3  }
0x24: {  	s14 =	sand.u32 $0x1, s12  }
0x25: {  	_ =	swait.ge [sflag:s6], $0x30;
	p0 =	seq.s32 s14, $0x1;
	s14 =	simm.s32 $0x30  }
0x26: {  	[sflag:s6] =	ssyncset.done $0x0;
	s14 =	simm.s32 @!p0 $0x0  }
0x27: {  	[sflag:s6] =	ssyncadd.s32 $0xFFFFFFD0;
	(ifvalue) =	ssetifvalue $0x7FFFFFFF;
	v0 =	vld.msk [tilespmem:s14+$0x0 ss:$0x1], $0xffff;
	_ =	sdelay $0x4  }
0x28: {  	vm1 =	vgt.s32 v0, $0x0  }
0x29: {  	s15 =	sadd.s32 $0x10, s14;
	v0 =	vnsel vm1, $0x0, v0  }
0x2a: {  	v1 =	vmin.u32 v0, $0x4AF;
	v0 =	vld.msk [tilespmem:s15+$0x0 ss:$0x1], $0xffff;
	_ =	sdelay $0x2  }
0x2b: {  	s16 =	simm.s32 $0x10;
	s14 =	sadd.s32 $0x60, s14  }
0x2c: {  	s17 =	sadd.s32 $0x10, s15;
	(ifvalue) =	ssetifvalue $0x7FFFFFFF;
	s15 =	smov.u32 s14  }
0x2d: {  	[tilespmem:s14], [sflag:$0x1] =	stream.indirect_vreg.gather [hbm4b:s3+s10], $0x1, v1, vm0, $0x4038;
	vm1 =	vgt.s32 v0, $0x0;
	[tilespmem:$0xC0] =	vst v63  }
.LBB2_3:
0x2e: {  	s16 =	sadd.s32 $0x10, s16;
	v1 =	vnsel vm1, $0x0, v0;
	v0 =	vld.msk [tilespmem:s17+$0x0 ss:$0x1], $0xffff  }
0x2f: {  	p0 =	slt.u32 s16, $0x20;
	v1 =	vmin.u32 v1, $0x4AF  }
.Ltmp3:
0x30: {  	(pc) =	sbr.rel @p0 .LBB2_3-.Ltmp3, $3  }
0x31: {  	_ =	sdelay $0x1  }
0x32: {  	s17 =	sadd.s32 $0x10, s17;
	s15 =	sadd.s32 $0x10, s15;
	(ifvalue) =	ssetifvalue $0x7FFFFFFF  }
0x33: {  	vm1 =	vgt.s32 v0, $0x0;
	[tilespmem:s15], [sflag:$0x1] =	stream.indirect_vreg.gather [hbm4b:s3+s10], $0x1, v1, vm0, $0x4038;
	[tilespmem:$0xC0] =	vst v63  }
.Ltmp4:
0x34: {  	_ = 	snop;
	(pc) =	sbr.rel .LBB2_4-.Ltmp4, $1  }
0x35: {  	_ =	sdelay $0x3  }
.LBB2_6:
0x36: {  	_ =	sfence.sel $0x180000  }
0x37: {  	s2 =	simm.s32 $0x2;
	[bflag:$0x0] =	sbarrier.arrive $0xFFFF  }
0x38: {  	s30 =	simm.s32 $0x3;
	[sflag:s2] =	ssyncpa.u1 $0x1  }
0x39: {  	s31 =	simm.s32 $0x1;
	[sflag:s30] =	ssyncpa.u1 $0x1  }
0x3a: {  	[sflag:s31] =	ssyncpa.u1 $0x1  }
0x3b: {  	p0 =	sne.s32 s1, $0x0;
	_ =	strace $0x9000004D  }
0x3c: {  	s0 =	sadd.s32 @!p0 $0x100000, s0;
	[bflag:$0x2] =	sbarrier.arrive $0xFFFF  }
0x3d: {  	[sflag:s0] =	ssyncadd.tile.s32 @!p0 $0x1;
	_ =	shalt  }
.Lfunc_end2:
_tile_overlayer_lowered:
.L_overlay_start_2:
0x3e: {  	(tag) =	ssettag $0x2  }
0x3f: {  	s0 =	rddreg [dreg:$0x0];
	s2 =	stileid.u32  }
0x40: {  	s1 =	rddreg [dreg:$0x1];
	p0 =	sne.s32 s2, $0x0  }
0x41: {  	s3 =	rddreg [dreg:$0x2];
	[bflag:$0x3] =	sbarrier.arrive $0xFFFF;
	s2 =	simm.s32 @!p0 $0x1C01  }
0x42: {  	[timem:s3], [sflag:s2] =	dma.local @!p0 [hbm:s0], s1  }
0x43: {  	s0 =	simm.s32 @!p0 $0x1  }
0x44: {  	_ =	swait.ge @!p0 [sflag:s0], s1  }
0x45: {  	s1 =	ssub.s32 @!p0 $0x0, s1;
	[sflag:s0] =	ssyncset.done @!p0 $0x0  }
0x46: {  	[sflag:s0] =	ssyncadd.s32 @!p0 s1  }
0x47: {  	[bflag:$0x3] =	sbarrier.arrive $0xFFFF  }
0x48: {  	_ =	shalt  }

// kernel: gather_offload_async_start.3
scs
__scs_entry_jumppad:
0x0: {  	(pc) =	sbr.rel $0x88, $3  }
0x1: {  	(tag) =	ssettag $0x0;
	lr =	simm.s32 $0x1  }
0x2: {  	[smem:$0x3F9F] =	sst lr;
	_ =	strace $0xD0000000  }
0x3: {  	_ = 	snop  }
0x4: {  	_ = 	snop  }
0x5: {  	_ = 	snop  }
0x6: {  	_ = 	snop  }
0x7: {  	_ = 	snop  }
__scs_overlays_trampoline_lowered:
0x8: {  	[smem:$0x3FAE] =	sst s0  }
0x9: {  	[smem:$0x3FAF] =	sst s1  }
0xa: {  	[smem:$0x3FB0] =	sst s2  }
0xb: {  	[smem:$0x3FB1] =	sst s3  }
0xc: {  	[smem:$0x3FB2] =	sst s4  }
0xd: {  	[smem:$0x3FB3] =	sst s5  }
0xe: {  	[smem:$0x3FB4] =	sst s6  }
0xf: {  	[smem:$0x3FB5] =	sst s7  }
0x10: {  	[smem:$0x3FB6] =	sst s8  }
0x11: {  	[smem:$0x3FB7] =	sst s9;
	s0 =	simm.s32 @!p0 $0x0  }
0x12: {  	s1 =	sld [smem:$0x3F9D];
	s0 =	simm.s32 @p0 $0x1  }
0x13: {  	[smem:$0x3FB8] =	sst s0;
	s0 =	simm.s32 @!p1 $0x0  }
0x14: {  	s2 =	sld [smem:$0x3F9C];
	s0 =	simm.s32 @p1 $0x1  }
0x15: {  	[smem:$0x3FB9] =	sst s0;
	s0 =	simm.s32 @!p2 $0x0  }
0x16: {  	s3 =	sld [smem:$0x3FDB];
	s0 =	simm.s32 @p2 $0x1  }
0x17: {  	s4 =	simm.s32 $0x1BF5;
	[smem:$0x3FBB] =	sst s0  }
0x18: {  	s0 =	sld [smem:$0x3F9E];
	_ =	swait.ge [sflag:s4], $0x0  }
0x19: {  	s7 =	sld [smem:$0x3F9F]  }
0x1a: {  	s8 =	sadd.s32 $0xFFFFE003, lr  }
0x1b: {  	s9 =	sadd.s32 $0xFFFFFEF7, lr;
	s5 =	simm.s32 $0xFFFFFFFF;
	p2 =	slt.u32 s8, $0xFFFFF086  }
0x1c: {  	p1 =	slt.u32 s9, $0xF7A;
	s5 =	simm.s32 @!p2 $0x0  }
0x1d: {  	s5 =	simm.s32 @p1 $0x1;
	p0 =	seq.s32 s7, s2  }
0x1e: {  	s7 =	smul.u32 @!p0 $0xF7A, s2;
	p2 =	seq.s32 @!p0 s5, $0x0  }
0x1f: {  	s9 =	smul.u32 $0xF7A, s1;
	s8 =	simm.s32 @!p0 $0x1BF5;
	p2 =	por !p2, p0  }
0x20: {  	[sflag:s8] =	ssyncset.s32 @!p0 $0xFFFFF086;
	s6 =	sadd.s32 @!p0 s3, s7;
	s7 =	simm.s32 @!p0 $0x108  }
0x21: {  	s3 =	sadd.s32 s3, s9;
	s6 =	sadd.s32 @!p0 $0x88, s6;
	s7 =	simm.s32 @p2 $0x1082  }
0x22: {  	[simem:s7], [sflag:s8] =	dma.local @!p0 [hbm:s6], $0xF7A  }
0x23: {  	s9 =	sor.u32 $0xD0000000, s2;
	s6 =	simm.s32 $0x108;
	_ =	swait.ge @!p0 [sflag:s8], $0x0  }
0x24: {  	s3 =	sadd.s32 $0x88, s3;
	s6 =	simm.s32 @!p1 $0x1082;
	[sflag:s4] =	ssyncset.s32 $0xFFFFF086  }
0x25: {  	[simem:s6], [sflag:s4] =	dma.local [hbm:s3], $0xF7A  }
0x26: {  	[smem:$0x3F9F] =	sst s1;
	(tag) =	ssettag s2;
	_ =	strace s9  }
0x27: {  	s1 =	sld [smem:$0x3FAF]  }
0x28: {  	s2 =	sld [smem:$0x3FB0]  }
0x29: {  	s4 =	sld [smem:$0x3FB2]  }
0x2a: {  	p0 =	seq.s32 s5, $0x0;
	s5 =	sld [smem:$0x3FB3]  }
0x2b: {  	s6 =	sld [smem:$0x3FB4]  }
0x2c: {  	s7 =	sld [smem:$0x3FB5]  }
0x2d: {  	s3 =	simm.s32 $0x108;
	s8 =	sld [smem:$0x3FB6]  }
0x2e: {  	s3 =	simm.s32 @!p0 $0x1082;
	s9 =	sld [smem:$0x3FB7]  }
0x2f: {  	lr =	sadd.s32 s0, s3;
	s0 =	sld [smem:$0x3FAE]  }
0x30: {  	s3 =	sld [smem:$0x3FB1]  }
0x31: {  	[smem:$0x3FBA] =	sst s10  }
0x32: {  	s10 =	sld [smem:$0x3FB8];
	_ =	sdelay $0x3  }
0x33: {  	p0 =	seq.s32 s10, $0x1;
	s10 =	sld [smem:$0x3FBA];
	_ =	sdelay $0x3  }
0x34: {  	[smem:$0x3FBA] =	sst s10  }
0x35: {  	s10 =	sld [smem:$0x3FB9];
	_ =	sdelay $0x3  }
0x36: {  	p1 =	seq.s32 s10, $0x1;
	s10 =	sld [smem:$0x3FBA];
	_ =	sdelay $0x3  }
0x37: {  	[smem:$0x3FBA] =	sst s10  }
0x38: {  	s10 =	sld [smem:$0x3FBB]  }
0x39: {  	_ = 	snop;
	(pc) =	sbr.ind lr, $3  }
0x3a: {  	_ = 	snop  }
0x3b: {  	_ = 	snop  }
0x3c: {  	p2 =	seq.s32 s10, $0x1;
	s10 =	sld [smem:$0x3FBA]  }
0x3d: {  	_ =	shalt  }
0x3e: {  	_ =	shalt  }
0x3f: {  	_ =	shalt  }
0x40: {  	_ =	shalt  }
0x41: {  	_ =	shalt  }
0x42: {  	_ =	shalt  }
0x43: {  	_ =	shalt  }
0x44: {  	_ =	shalt  }
0x45: {  	_ =	shalt  }
0x46: {  	_ =	shalt  }
0x47: {  	_ =	shalt  }
0x48: {  	_ =	shalt  }
0x49: {  	_ =	shalt  }
0x4a: {  	_ =	shalt  }
0x4b: {  	_ =	shalt  }
0x4c: {  	_ =	shalt  }
0x4d: {  	_ =	shalt  }
0x4e: {  	_ =	shalt  }
0x4f: {  	_ =	shalt  }
0x50: {  	_ =	shalt  }
0x51: {  	_ =	shalt  }
0x52: {  	_ =	shalt  }
0x53: {  	_ =	shalt  }
0x54: {  	_ =	shalt  }
0x55: {  	_ =	shalt  }
0x56: {  	_ =	shalt  }
0x57: {  	_ =	shalt  }
0x58: {  	_ =	shalt  }
0x59: {  	_ =	shalt  }
0x5a: {  	_ =	shalt  }
0x5b: {  	_ =	shalt  }
0x5c: {  	_ =	shalt  }
0x5d: {  	_ =	shalt  }
0x5e: {  	_ =	shalt  }
0x5f: {  	_ =	shalt  }
0x60: {  	_ =	shalt  }
0x61: {  	_ =	shalt  }
0x62: {  	_ =	shalt  }
0x63: {  	_ =	shalt  }
0x64: {  	_ =	shalt  }
0x65: {  	_ =	shalt  }
0x66: {  	_ =	shalt  }
0x67: {  	_ =	shalt  }
0x68: {  	_ =	shalt  }
0x69: {  	_ =	shalt  }
0x6a: {  	_ =	shalt  }
0x6b: {  	_ =	shalt  }
0x6c: {  	_ =	shalt  }
0x6d: {  	_ =	shalt  }
0x6e: {  	_ =	shalt  }
0x6f: {  	_ =	shalt  }
0x70: {  	_ =	shalt  }
0x71: {  	_ =	shalt  }
0x72: {  	_ =	shalt  }
0x73: {  	_ =	shalt  }
0x74: {  	_ =	shalt  }
0x75: {  	_ =	shalt  }
0x76: {  	_ =	shalt  }
0x77: {  	_ =	shalt  }
0x78: {  	_ =	shalt  }
0x79: {  	_ =	shalt  }
0x7a: {  	_ =	shalt  }
0x7b: {  	_ =	shalt  }
0x7c: {  	_ =	shalt  }
0x7d: {  	_ =	shalt  }
0x7e: {  	_ =	shalt  }
0x7f: {  	_ =	shalt  }
0x80: {  	_ =	shalt  }
0x81: {  	_ =	shalt  }
0x82: {  	_ =	shalt  }
0x83: {  	_ =	shalt  }
0x84: {  	_ =	shalt  }
0x85: {  	_ =	shalt  }
0x86: {  	_ =	shalt  }
0x87: {  	_ =	shalt  }
.Lfunc_end0:
.L_simem_size_0:
called_computation.3_lowered:
.L_overlay_start_0:
0x88: {  	s0 =	sld [smem:$0x3FD9]  }
0x89: {  	s1 =	sld [smem:$0x3FFE];
	_ =	sdelay $0x3  }
0x8a: {  	s0 =	sadd.s32 s1, s0  }
0x8b: {  	[smem:$0x3FC6] =	sst s0  }
0x8c: {  	_ = 	snop  }
0x8d: {  	(tm) =	ssettm $0x1  }
0x8e: {  	s15 =	sld [smem:$0x3FFB];
	_ =	sdelay $0x3  }
0x8f: {  	_ =	strace s15  }
0x90: {  	s0 =	sld [smem:$0x3FFC];
	_ =	sdelay $0x3  }
0x91: {  	_ =	strace s0  }
0x92: {  	s0 =	sld [smem:$0x3FFD];
	_ =	sdelay $0x3  }
0x93: {  	_ =	strace s0  }
0x94: {  	_ =	strace $0x8FFFFFFF  }
0x95: {  	s16 =	sld [smem:$0x3FDB];
	_ =	sdelay $0x1  }
0x96: {  	s17 =	simm.s32 $_scs_section_size  }
0x97: {  	s2 =	simm.s32 $_size__tile_overlayer_lowered;
	s3 =	simm.s32 $_tile_overlayer_lowered  }
0x98: {  	s20 =	simm.s32 $0x1BFF;
	s19 =	sshll.u32 s3, $0x1;
	s0 =	sadd.s32 s17, s16  }
0x99: {  	s4 =	simm.s32 $0x0;
	s18 =	sshll.u32 s2, $0x1;
	s2 =	sadd.s32 s19, s0  }
0x9a: {  	[timem:s4], [sflag:s20] =	dma.local [hbm:s2], s18  }
0x9b: {  	_ =	swait.ge [sflag:s20], s18  }
0x9c: {  	s1 =	ssub.s32 $0x0, s18;
	[sflag:s20] =	ssyncset.done $0x0  }
0x9d: {  	[sflag:s20] =	ssyncadd.s32 s1;
	_ =	sdelay $0x1  }
0x9e: {  	s21 =	simm.s32 $0x1B8B  }
0x9f: {  	_ =	swait.ge [sflag:s21], $0x1  }
0xa0: {  	[sflag:s21] =	ssyncset.done $0x0  }
0xa1: {  	s23 =	simm.s32 $0x1B8E;
	s22 =	sld [smem:$0x3FFE];
	[sflag:s21] =	ssyncadd.s32 $0xFFFFFFFF  }
0xa2: {  	s24 =	simm.s32 $execute0_lowered;
	[smem:$0x3FD2] =	sst s23  }
0xa3: {  	s2 =	sshll.u32 s24, $0x1;
	_ =	strace $0x80000049;
	[dreg:$0x1] =	wrdreg $0xFFFFFFFF  }
0xa4: {  	s25 =	simm.s32 $_size_execute0_lowered;
	s0 =	sadd.s32 s0, s2;
	[dreg:$0x0] =	wrdreg $0x0  }
0xa5: {  	s2 =	sshll.u32 s25, $0x1;
	[dreg:$0x2] =	wrdreg s0  }
0xa6: {  	[dreg:$0x3] =	wrdreg s2  }
0xa7: {  	[dreg:$0x4] =	wrdreg $0xC0  }
0xa8: {  	_ =	task [dreg:s4], $0x5FFFF  }
0xa9: {  	[dreg:$0x1] =	wrdreg $0xFFFFFFFF  }
0xaa: {  	[dreg:$0x0] =	wrdreg $0x60  }
0xab: {  	[dreg:$0x2] =	wrdreg s22  }
0xac: {  	[dreg:$0x3] =	wrdreg $0x9  }
0xad: {  	_ =	task.clear_ibuf [dreg:s4], $0x4FFFF;
	_ =	strace $0x90000049  }
0xae: {  	s26 =	simm.s32 $0x9;
	_ =	strace $0x8000004B  }
0xaf: {  	_ =	swait.ge [sflag:s26], $0x1  }
0xb0: {  	[sflag:s26] =	ssyncadd.s32 $0xFFFFFFFF  }
0xb1: {  	_ =	strace $0x9000004B  }
0xb2: {  	_ =	sfence  }
0xb3: {  	s28 =	sld [smem:$0x0];
	_ =	sdelay $0x1  }
0xb4: {  	s29 =	srdreg.scid  }
0xb5: {  	s30 =	sshll.u32 s29, $0xD;
	s31 =	sshrl.u32 s29, $0x2  }
0xb6: {  	s1 =	sand.u32 $0x1, s29;
	s2 =	sand.u32 $0x4000, s30;
	s0 =	sadd.s32 s31, s28  }
0xb7: {  	s1 =	sor.u32 s2, s1;
	s0 =	sshll.u32 s0, $0x11  }
0xb8: {  	s0 =	sor.u32 s0, s1  }
0xb9: {  	s0 =	sadd.s32 $0x8F2B, s0  }
0xba: {  	[sflag:s0] =	ssyncadd.remote.s32 $0x1  }
0xbb: {  	_ =	sfence.sel $0xFFFF  }
0xbc: {  	[dreg:$0x0] =	wrdreg $0xFFFFFFFF;
	(pc) =	sbr.abs _section_cstart, $3  }
0xbd: {  	[dreg:$0x1] =	wrdreg $0xFFFFFFFF  }
0xbe: {  	_ =	task.clear_ibuf [dreg:s4], $0x2FFFF;
	_ =	strace $0x9FFFFFFF  }
0xbf: {  	(tm) =	ssettm $0x7FFFFFFF  }
tec
execute0_lowered:
.L_overlay_start_1:
0x0: {  	(tag) =	ssettag $0x1  }
0x1: {  	s0 =	stileid.u32  }
0x2: {  	s1 =	smin.u32 s0, $0xE  }
0x3: {  	s1 =	sadd.s32 s0, s1  }
0x4: {  	p0 =	slt.u32 s0, $0xE;
	s2 =	smul.u32 $0x28, s1;
	s1 =	simm.s32 $0x50  }
0x5: {  	s1 =	simm.s32 @!p0 $0x28  }
0x6: {  	s1 =	sadd.s32 s1, s2  }
0x7: {  	s3 =	smin.u32 s1, $0x4B0  }
0x8: {  	s7 =	ssub.s32 s3, s2  }
0x9: {  	p0 =	sgt.s32 s7, $0x0  }
0xa: {  	s7 =	simm.s32 @!p0 $0x0  }
0xb: {  	s31 =	smul.u32 $0xCCCD, s7  }
0xc: {  	s4 =	rddreg [dreg:$0x0];
	s6 =	simm.s32 $0x1  }
0xd: {  	s10 =	simm.s32 $0x3;
	s13 =	simm.s32 $0x0;
	s8 =	sshrl.u32 s31, $0x15  }
0xe: {  	s12 =	simm.s32 $0x0;
	s5 =	sadd.s32 $0x2A00, s4;
	s9 =	smul.u32 $0x28, s8  }
.Ltmp0:
0xf: {  	s11 =	smov.u32 s2;
	s1 =	rddreg [dreg:$0x1];
	(pc) =	sbr.rel .LBB2_1-.Ltmp0, $4  }
0x10: {  	_ =	strace $0x8000004A;
	p0 =	sne.s32 s7, s9;
	s9 =	simm.s32 $0x1  }
0x11: {  	[sflag:s6] =	ssyncpa.u1 $0x0;
	s7 =	simm.s32 $0x2;
	s9 =	simm.s32 @!p0 $0x0  }
0x12: {  	[sflag:s7] =	ssyncpa.u1 $0x0;
	p0 =	por $0x0, $0x0;
	s8 =	sadd.s32 s8, s9  }
0x13: {  	vm0 =	vmmov $0xff;
	vm1 =	vcmask $0x3F20;
	s9 =	sadd.s32 $0x13B200, s4;
	[sflag:s10] =	ssyncpa.u1 $0x0;
	s10 =	sadd.s32 $0x1, s8  }
.LBB2_6:
0x14: {  	[hbm:s17] =	stream.linear.scatter [tilespmem:s14], [sflag:$0x3], $0x400, $0x38;
	[tilespmem:$0x2850] =	vst v63  }
.LBB2_7:
0x15: {  	s13 =	sadd.s32 $0x28, s11  }
0x16: {  	s15 =	smov.u32 s2;
	p2 =	slt.s32 s13, s3  }
0x17: {  	s15 =	smov.u32 @p2 s13;
	p2 =	sne.s32 s12, s10  }
.Ltmp1:
0x18: {  	p1 =	slt.u32 s12, $0x2;
	(pc) =	sbr.rel @!p2 .LBB2_8-.Ltmp1, $4  }
0x19: {  	s14 =	simm.s32 @!p1 $0x3  }
0x1a: {  	s16 =	sadd.s32 $0x1, s12;
	_ =	swait.ge @!p1 [sflag:s14], $0x1400  }
0x1b: {  	p0 =	por !p0, !p0;
	s13 =	smov.u32 s11;
	[sflag:s14] =	ssyncset.done @!p1 $0x0  }
0x1c: {  	s12 =	smov.u32 s16;
	s11 =	smov.u32 s15;
	[sflag:s14] =	ssyncadd.s32 @!p1 $0xFFFFEC00  }
.LBB2_1:
0x1d: {  	p1 =	sge.u32 s12, s8  }
0x1e: {  	s14 =	sxor.u32 @!p1 $0xFFFFFFFF, s12  }
0x1f: {  	s14 =	sand.u32 @!p1 $0x1, s14  }
0x20: {  	s14 =	smul.u32 @!p1 $0xA0, s14  }
0x21: {  	s31 =	sadd.s32 $0xFFFFFFFF, s12;
	s15 =	sshrl.u32 @!p1 s11, $0x3  }
0x22: {  	s16 =	sand.u32 @!p1 $0x7, s11;
	s15 =	sadd.s32 @!p1 s4, s15;
	s14 =	sshrl.u32 @!p1 s14, $0x2  }
0x23: {  	[tilespmem:s14], [sflag:$0x2] =	stream.linear.gather @!p1 [hbm4b:s15+s16], $0x28, $0x38;
	[tilespmem:$0x2850] =	vst v63  }
0x24: {  	p1 =	sge.u32 s31, s8  }
.Ltmp2:
0x25: {  	_ = 	snop;
	(pc) =	sbr.rel @p1 .LBB2_7-.Ltmp2, $1  }
0x26: {  	_ =	sdelay $0x3  }
0x27: {  	s15 =	sand.u32 $0x1, s12  }
0x28: {  	s14 =	simm.s32 $0x1;
	s16 =	smul.u32 $0xA0, s15  }
0x29: {  	s14 =	simm.s32 @!p0 $0x0;
	s15 =	smul.u32 $0x5000, s15  }
0x2a: {  	_ =	swait.ge [sflag:s7], $0x28;
	s14 =	smul.u32 $0x5000, s14  }
0x2b: {  	s18 =	simm.s32 $0x0;
	p1 =	por $0x1, $0x1;
	[sflag:s7] =	ssyncset.done $0x0  }
0x2c: {  	[sflag:s7] =	ssyncadd.s32 $0xFFFFFFD8;
	s15 =	sshrl.u32 s15, $0x2;
	s14 =	sshrl.u32 s14, $0x2  }
0x2d: {  	s16 =	sshrl.u32 s16, $0x2;
	s17 =	sor.u32 $0x50, s15;
	s14 =	sor.u32 $0x50, s14  }
.LBB2_3:
0x2e: {  	s19 =	sshll.u32 s18, $0x4  }
0x2f: {  	s19 =	sand.u32 $0x3FFFFFF0, s19  }
0x30: {  	s19 =	sadd.s32 s19, s16  }
0x31: {  	v0 =	vld.msk [tilespmem:s19+$0x0 ss:$0x1], $0xffff;
	_ =	sdelay $0x4  }
0x32: {  	v1 =	vand.u32 $0x3, v0;
	v2 =	vshll.u32 v0, $0x5  }
0x33: {  	vm2 =	veq.s32 v0, $0x80000000;
	v61 =	vmul.u32 $0x271000, v1;
	v62 =	vand.u32 $0x3FFF80, v2  }
0x34: {  	v1 =	vsel vm2, $0xFFFFFF80, v62  }
0x35: {  	v0 =	vsel vm2, $0xFFD8F000, v61;
	v63 =	vand.u32 $0xFFFFFC00, v1  }
0x36: {  	v1 =	vand.u32 $0x380, v1;
	v0 =	vadd.s32 v0, v63  }
0x37: {  	v0 =	vor.u32 v1, v0  }
0x38: {  	v0 =	vshrl.u32 v0, $0x3;
	_ =	sdelay $0x1  }
0x39: {  	s31 =	sshll.u32 s18, $0xB  }
0x3a: {  	p2 =	por p1, p1;
	s18 =	sand.u32 $0x3FFFF800, s31  }
.Ltmp3:
0x3b: {  	s18 =	sadd.s32 s18, s17;
	(pc) =	sbr.rel @p2 .LBB2_3-.Ltmp3, $4  }
0x3c: {  	[tilespmem:s18], [sflag:$0x1] =	stream.indirect_vreg.gather [hbm:s5], $0x80, v0, vm0, $0x38;
	[tilespmem:$0x2850] =	vst v63  }
0x3d: {  	s18 =	sadd.s32 $0x400, s18  }
0x3e: {  	[tilespmem:s18], [sflag:$0x1] =	stream.indirect_vreg.gather [hbm:s5], $0x80, v0, vm1, $0x38;
	[tilespmem:$0x2850] =	vst v63  }
0x3f: {  	p1 =	por $0x0, $0x0;
	s18 =	simm.s32 $0x1  }
0x40: {  	v0 =	vld.msk [tilespmem:s16+$0x20 ss:$0x1], $0xff;
	_ =	sdelay $0x4  }
0x41: {  	v1 =	vand.u32 $0x3, v0;
	v2 =	vshll.u32 v0, $0x5  }
0x42: {  	vm2 =	veq.s32 v0, $0x80000000;
	v61 =	vmul.u32 $0x271000, v1;
	v62 =	vand.u32 $0x3FFF80, v2  }
0x43: {  	v1 =	vsel vm2, $0xFFFFFF80, v62  }
0x44: {  	v0 =	vsel vm2, $0xFFD8F000, v61;
	v63 =	vand.u32 $0xFFFFFC00, v1  }
0x45: {  	v1 =	vand.u32 $0x380, v1;
	v0 =	vadd.s32 v0, v63  }
0x46: {  	v0 =	vor.u32 v1, v0  }
0x47: {  	v0 =	vshrl.u32 v0, $0x3;
	_ =	sdelay $0x3  }
0x48: {  	s15 =	sadd.s32 $0x1050, s15  }
0x49: {  	[tilespmem:s15], [sflag:$0x1] =	stream.indirect_vreg.gather [hbm:s5], $0x80, v0, vm0, $0x38;
	[tilespmem:$0x2850] =	vst v63  }
0x4a: {  	s13 =	sshll.u32 s13, $0x4;
	_ =	swait.ge [sflag:s6], $0x1400  }
0x4b: {  	s16 =	sadd.s32 $0x400, s14;
	s13 =	sadd.s32 s13, s9;
	[sflag:s6] =	ssyncset.done $0x0  }
0x4c: {  	s17 =	sadd.s32 $0x0, s13;
	s15 =	simm.s32 $0x80;
	[sflag:s6] =	ssyncadd.s32 $0xFFFFEC00  }
.LBB2_5:
0x4d: {  	[hbm:s17] =	stream.linear.scatter [tilespmem:s14], [sflag:$0x3], $0x400, $0x38;
	[tilespmem:$0x2850] =	vst v63  }
0x4e: {  	s17 =	smov.u32 s15;
	s14 =	smov.u32 s16;
	p1 =	sne.s32 s15, $0x200  }
.Ltmp4:
0x4f: {  	s15 =	sadd.s32 $0x80, s15;
	(pc) =	sbr.rel @p1 .LBB2_5-.Ltmp4, $2  }
0x50: {  	_ =	sdelay $0x2  }
0x51: {  	s16 =	sadd.s32 $0x400, s16;
	s17 =	sadd.s32 s17, s13  }
.Ltmp5:
0x52: {  	_ = 	snop;
	(pc) =	sbr.rel .LBB2_6-.Ltmp5, $1  }
0x53: {  	_ =	sdelay $0x3  }
.LBB2_8:
0x54: {  	_ =	sfence.sel $0x180000  }
0x55: {  	s2 =	simm.s32 $0x2;
	[bflag:$0x0] =	sbarrier.arrive $0xFFFF  }
0x56: {  	s30 =	simm.s32 $0x3;
	[sflag:s2] =	ssyncpa.u1 $0x1  }
0x57: {  	s31 =	simm.s32 $0x1;
	[sflag:s30] =	ssyncpa.u1 $0x1  }
0x58: {  	[sflag:s31] =	ssyncpa.u1 $0x1  }
0x59: {  	p0 =	sne.s32 s0, $0x0;
	_ =	strace $0x9000004A  }
0x5a: {  	s0 =	sadd.s32 @!p0 $0x100000, s1;
	[bflag:$0x2] =	sbarrier.arrive $0xFFFF  }
0x5b: {  	[sflag:s0] =	ssyncadd.tile.s32 @!p0 $0x1;
	_ =	shalt  }
.Lfunc_end2:
_tile_overlayer_lowered:
.L_overlay_start_2:
0x5c: {  	(tag) =	ssettag $0x2  }
0x5d: {  	s0 =	rddreg [dreg:$0x0];
	s2 =	stileid.u32  }
0x5e: {  	s1 =	rddreg [dreg:$0x1];
	p0 =	sne.s32 s2, $0x0  }
0x5f: {  	s3 =	rddreg [dreg:$0x2];
	[bflag:$0x3] =	sbarrier.arrive $0xFFFF;
	s2 =	simm.s32 @!p0 $0x1C01  }
0x60: {  	[timem:s3], [sflag:s2] =	dma.local @!p0 [hbm:s0], s1  }
0x61: {  	s0 =	simm.s32 @!p0 $0x1  }
0x62: {  	_ =	swait.ge @!p0 [sflag:s0], s1  }
0x63: {  	s1 =	ssub.s32 @!p0 $0x0, s1;
	[sflag:s0] =	ssyncset.done @!p0 $0x0  }
0x64: {  	[sflag:s0] =	ssyncadd.s32 @!p0 s1  }
0x65: {  	[bflag:$0x3] =	sbarrier.arrive $0xFFFF  }
0x66: {  	_ =	shalt  }

// kernel: gather_offload_async_start.4
scs
__scs_entry_jumppad:
0x0: {  	(pc) =	sbr.rel $0x88, $3  }
0x1: {  	(tag) =	ssettag $0x0;
	lr =	simm.s32 $0x1  }
0x2: {  	[smem:$0x3F9F] =	sst lr;
	_ =	strace $0xD0000000  }
0x3: {  	_ = 	snop  }
0x4: {  	_ = 	snop  }
0x5: {  	_ = 	snop  }
0x6: {  	_ = 	snop  }
0x7: {  	_ = 	snop  }
__scs_overlays_trampoline_lowered:
0x8: {  	[smem:$0x3FAE] =	sst s0  }
0x9: {  	[smem:$0x3FAF] =	sst s1  }
0xa: {  	[smem:$0x3FB0] =	sst s2  }
0xb: {  	[smem:$0x3FB1] =	sst s3  }
0xc: {  	[smem:$0x3FB2] =	sst s4  }
0xd: {  	[smem:$0x3FB3] =	sst s5  }
0xe: {  	[smem:$0x3FB4] =	sst s6  }
0xf: {  	[smem:$0x3FB5] =	sst s7  }
0x10: {  	[smem:$0x3FB6] =	sst s8  }
0x11: {  	[smem:$0x3FB7] =	sst s9;
	s0 =	simm.s32 @!p0 $0x0  }
0x12: {  	s1 =	sld [smem:$0x3F9D];
	s0 =	simm.s32 @p0 $0x1  }
0x13: {  	[smem:$0x3FB8] =	sst s0;
	s0 =	simm.s32 @!p1 $0x0  }
0x14: {  	s2 =	sld [smem:$0x3F9C];
	s0 =	simm.s32 @p1 $0x1  }
0x15: {  	[smem:$0x3FB9] =	sst s0;
	s0 =	simm.s32 @!p2 $0x0  }
0x16: {  	s3 =	sld [smem:$0x3FDB];
	s0 =	simm.s32 @p2 $0x1  }
0x17: {  	s4 =	simm.s32 $0x1BF5;
	[smem:$0x3FBB] =	sst s0  }
0x18: {  	s0 =	sld [smem:$0x3F9E];
	_ =	swait.ge [sflag:s4], $0x0  }
0x19: {  	s7 =	sld [smem:$0x3F9F]  }
0x1a: {  	s8 =	sadd.s32 $0xFFFFE003, lr  }
0x1b: {  	s9 =	sadd.s32 $0xFFFFFEF7, lr;
	s5 =	simm.s32 $0xFFFFFFFF;
	p2 =	slt.u32 s8, $0xFFFFF086  }
0x1c: {  	p1 =	slt.u32 s9, $0xF7A;
	s5 =	simm.s32 @!p2 $0x0  }
0x1d: {  	s5 =	simm.s32 @p1 $0x1;
	p0 =	seq.s32 s7, s2  }
0x1e: {  	s7 =	smul.u32 @!p0 $0xF7A, s2;
	p2 =	seq.s32 @!p0 s5, $0x0  }
0x1f: {  	s9 =	smul.u32 $0xF7A, s1;
	s8 =	simm.s32 @!p0 $0x1BF5;
	p2 =	por !p2, p0  }
0x20: {  	[sflag:s8] =	ssyncset.s32 @!p0 $0xFFFFF086;
	s6 =	sadd.s32 @!p0 s3, s7;
	s7 =	simm.s32 @!p0 $0x108  }
0x21: {  	s3 =	sadd.s32 s3, s9;
	s6 =	sadd.s32 @!p0 $0x88, s6;
	s7 =	simm.s32 @p2 $0x1082  }
0x22: {  	[simem:s7], [sflag:s8] =	dma.local @!p0 [hbm:s6], $0xF7A  }
0x23: {  	s9 =	sor.u32 $0xD0000000, s2;
	s6 =	simm.s32 $0x108;
	_ =	swait.ge @!p0 [sflag:s8], $0x0  }
0x24: {  	s3 =	sadd.s32 $0x88, s3;
	s6 =	simm.s32 @!p1 $0x1082;
	[sflag:s4] =	ssyncset.s32 $0xFFFFF086  }
0x25: {  	[simem:s6], [sflag:s4] =	dma.local [hbm:s3], $0xF7A  }
0x26: {  	[smem:$0x3F9F] =	sst s1;
	(tag) =	ssettag s2;
	_ =	strace s9  }
0x27: {  	s1 =	sld [smem:$0x3FAF]  }
0x28: {  	s2 =	sld [smem:$0x3FB0]  }
0x29: {  	s4 =	sld [smem:$0x3FB2]  }
0x2a: {  	p0 =	seq.s32 s5, $0x0;
	s5 =	sld [smem:$0x3FB3]  }
0x2b: {  	s6 =	sld [smem:$0x3FB4]  }
0x2c: {  	s7 =	sld [smem:$0x3FB5]  }
0x2d: {  	s3 =	simm.s32 $0x108;
	s8 =	sld [smem:$0x3FB6]  }
0x2e: {  	s3 =	simm.s32 @!p0 $0x1082;
	s9 =	sld [smem:$0x3FB7]  }
0x2f: {  	lr =	sadd.s32 s0, s3;
	s0 =	sld [smem:$0x3FAE]  }
0x30: {  	s3 =	sld [smem:$0x3FB1]  }
0x31: {  	[smem:$0x3FBA] =	sst s10  }
0x32: {  	s10 =	sld [smem:$0x3FB8];
	_ =	sdelay $0x3  }
0x33: {  	p0 =	seq.s32 s10, $0x1;
	s10 =	sld [smem:$0x3FBA];
	_ =	sdelay $0x3  }
0x34: {  	[smem:$0x3FBA] =	sst s10  }
0x35: {  	s10 =	sld [smem:$0x3FB9];
	_ =	sdelay $0x3  }
0x36: {  	p1 =	seq.s32 s10, $0x1;
	s10 =	sld [smem:$0x3FBA];
	_ =	sdelay $0x3  }
0x37: {  	[smem:$0x3FBA] =	sst s10  }
0x38: {  	s10 =	sld [smem:$0x3FBB]  }
0x39: {  	_ = 	snop;
	(pc) =	sbr.ind lr, $3  }
0x3a: {  	_ = 	snop  }
0x3b: {  	_ = 	snop  }
0x3c: {  	p2 =	seq.s32 s10, $0x1;
	s10 =	sld [smem:$0x3FBA]  }
0x3d: {  	_ =	shalt  }
0x3e: {  	_ =	shalt  }
0x3f: {  	_ =	shalt  }
0x40: {  	_ =	shalt  }
0x41: {  	_ =	shalt  }
0x42: {  	_ =	shalt  }
0x43: {  	_ =	shalt  }
0x44: {  	_ =	shalt  }
0x45: {  	_ =	shalt  }
0x46: {  	_ =	shalt  }
0x47: {  	_ =	shalt  }
0x48: {  	_ =	shalt  }
0x49: {  	_ =	shalt  }
0x4a: {  	_ =	shalt  }
0x4b: {  	_ =	shalt  }
0x4c: {  	_ =	shalt  }
0x4d: {  	_ =	shalt  }
0x4e: {  	_ =	shalt  }
0x4f: {  	_ =	shalt  }
0x50: {  	_ =	shalt  }
0x51: {  	_ =	shalt  }
0x52: {  	_ =	shalt  }
0x53: {  	_ =	shalt  }
0x54: {  	_ =	shalt  }
0x55: {  	_ =	shalt  }
0x56: {  	_ =	shalt  }
0x57: {  	_ =	shalt  }
0x58: {  	_ =	shalt  }
0x59: {  	_ =	shalt  }
0x5a: {  	_ =	shalt  }
0x5b: {  	_ =	shalt  }
0x5c: {  	_ =	shalt  }
0x5d: {  	_ =	shalt  }
0x5e: {  	_ =	shalt  }
0x5f: {  	_ =	shalt  }
0x60: {  	_ =	shalt  }
0x61: {  	_ =	shalt  }
0x62: {  	_ =	shalt  }
0x63: {  	_ =	shalt  }
0x64: {  	_ =	shalt  }
0x65: {  	_ =	shalt  }
0x66: {  	_ =	shalt  }
0x67: {  	_ =	shalt  }
0x68: {  	_ =	shalt  }
0x69: {  	_ =	shalt  }
0x6a: {  	_ =	shalt  }
0x6b: {  	_ =	shalt  }
0x6c: {  	_ =	shalt  }
0x6d: {  	_ =	shalt  }
0x6e: {  	_ =	shalt  }
0x6f: {  	_ =	shalt  }
0x70: {  	_ =	shalt  }
0x71: {  	_ =	shalt  }
0x72: {  	_ =	shalt  }
0x73: {  	_ =	shalt  }
0x74: {  	_ =	shalt  }
0x75: {  	_ =	shalt  }
0x76: {  	_ =	shalt  }
0x77: {  	_ =	shalt  }
0x78: {  	_ =	shalt  }
0x79: {  	_ =	shalt  }
0x7a: {  	_ =	shalt  }
0x7b: {  	_ =	shalt  }
0x7c: {  	_ =	shalt  }
0x7d: {  	_ =	shalt  }
0x7e: {  	_ =	shalt  }
0x7f: {  	_ =	shalt  }
0x80: {  	_ =	shalt  }
0x81: {  	_ =	shalt  }
0x82: {  	_ =	shalt  }
0x83: {  	_ =	shalt  }
0x84: {  	_ =	shalt  }
0x85: {  	_ =	shalt  }
0x86: {  	_ =	shalt  }
0x87: {  	_ =	shalt  }
.Lfunc_end0:
.L_simem_size_0:
called_computation.4_lowered:
.L_overlay_start_0:
0x88: {  	s0 =	sld [smem:$0x3FD9]  }
0x89: {  	s1 =	sld [smem:$0x3FFE];
	_ =	sdelay $0x3  }
0x8a: {  	s0 =	sadd.s32 s1, s0  }
0x8b: {  	[smem:$0x3FC6] =	sst s0  }
0x8c: {  	_ = 	snop  }
0x8d: {  	(tm) =	ssettm $0x1  }
0x8e: {  	s15 =	sld [smem:$0x3FFB];
	_ =	sdelay $0x3  }
0x8f: {  	_ =	strace s15  }
0x90: {  	s0 =	sld [smem:$0x3FFC];
	_ =	sdelay $0x3  }
0x91: {  	_ =	strace s0  }
0x92: {  	s0 =	sld [smem:$0x3FFD];
	_ =	sdelay $0x3  }
0x93: {  	_ =	strace s0  }
0x94: {  	_ =	strace $0x8FFFFFFF  }
0x95: {  	s16 =	sld [smem:$0x3FDB];
	_ =	sdelay $0x1  }
0x96: {  	s17 =	simm.s32 $_scs_section_size  }
0x97: {  	s2 =	simm.s32 $_size__tile_overlayer_lowered;
	s3 =	simm.s32 $_tile_overlayer_lowered  }
0x98: {  	s20 =	simm.s32 $0x1BFF;
	s19 =	sshll.u32 s3, $0x1;
	s0 =	sadd.s32 s17, s16  }
0x99: {  	s4 =	simm.s32 $0x0;
	s18 =	sshll.u32 s2, $0x1;
	s2 =	sadd.s32 s19, s0  }
0x9a: {  	[timem:s4], [sflag:s20] =	dma.local [hbm:s2], s18  }
0x9b: {  	_ =	swait.ge [sflag:s20], s18  }
0x9c: {  	s1 =	ssub.s32 $0x0, s18;
	[sflag:s20] =	ssyncset.done $0x0  }
0x9d: {  	[sflag:s20] =	ssyncadd.s32 s1;
	_ =	sdelay $0x1  }
0x9e: {  	s21 =	simm.s32 $0x1B8B  }
0x9f: {  	_ =	swait.ge [sflag:s21], $0x1  }
0xa0: {  	[sflag:s21] =	ssyncset.done $0x0  }
0xa1: {  	s23 =	simm.s32 $0x1B8E;
	s22 =	sld [smem:$0x3FFE];
	[sflag:s21] =	ssyncadd.s32 $0xFFFFFFFF  }
0xa2: {  	s24 =	simm.s32 $execute0_lowered;
	[smem:$0x3FD2] =	sst s23  }
0xa3: {  	s2 =	sshll.u32 s24, $0x1;
	_ =	strace $0x80000046;
	[dreg:$0x1] =	wrdreg $0xFFFFFFFF  }
0xa4: {  	s25 =	simm.s32 $_size_execute0_lowered;
	s0 =	sadd.s32 s0, s2;
	[dreg:$0x0] =	wrdreg $0x0  }
0xa5: {  	s2 =	sshll.u32 s25, $0x1;
	[dreg:$0x2] =	wrdreg s0  }
0xa6: {  	[dreg:$0x3] =	wrdreg s2  }
0xa7: {  	[dreg:$0x4] =	wrdreg $0xC0  }
0xa8: {  	_ =	task [dreg:s4], $0x5FFFF  }
0xa9: {  	[dreg:$0x1] =	wrdreg $0xFFFFFFFF  }
0xaa: {  	[dreg:$0x0] =	wrdreg $0x60  }
0xab: {  	[dreg:$0x2] =	wrdreg s22  }
0xac: {  	[dreg:$0x3] =	wrdreg $0x9  }
0xad: {  	_ =	task.clear_ibuf [dreg:s4], $0x4FFFF;
	_ =	strace $0x90000046  }
0xae: {  	s26 =	simm.s32 $0x9;
	_ =	strace $0x80000048  }
0xaf: {  	_ =	swait.ge [sflag:s26], $0x1  }
0xb0: {  	[sflag:s26] =	ssyncadd.s32 $0xFFFFFFFF  }
0xb1: {  	_ =	strace $0x90000048  }
0xb2: {  	_ =	sfence  }
0xb3: {  	s28 =	sld [smem:$0x0];
	_ =	sdelay $0x1  }
0xb4: {  	s29 =	srdreg.scid  }
0xb5: {  	s30 =	sshll.u32 s29, $0xD;
	s31 =	sshrl.u32 s29, $0x2  }
0xb6: {  	s1 =	sand.u32 $0x1, s29;
	s2 =	sand.u32 $0x4000, s30;
	s0 =	sadd.s32 s31, s28  }
0xb7: {  	s1 =	sor.u32 s2, s1;
	s0 =	sshll.u32 s0, $0x11  }
0xb8: {  	s0 =	sor.u32 s0, s1  }
0xb9: {  	s0 =	sadd.s32 $0x8F2B, s0  }
0xba: {  	[sflag:s0] =	ssyncadd.remote.s32 $0x1  }
0xbb: {  	_ =	sfence.sel $0xFFFF  }
0xbc: {  	[dreg:$0x0] =	wrdreg $0xFFFFFFFF;
	(pc) =	sbr.abs _section_cstart, $3  }
0xbd: {  	[dreg:$0x1] =	wrdreg $0xFFFFFFFF  }
0xbe: {  	_ =	task.clear_ibuf [dreg:s4], $0x2FFFF;
	_ =	strace $0x9FFFFFFF  }
0xbf: {  	(tm) =	ssettm $0x7FFFFFFF  }
tec
execute0_lowered:
.L_overlay_start_1:
0x0: {  	(tag) =	ssettag $0x1  }
0x1: {  	s2 =	rddreg [dreg:$0x0]  }
0x2: {  	s0 =	rddreg [dreg:$0x1]  }
0x3: {  	_ =	strace $0x80000047;
	s4 =	simm.s32 $0x1;
	s1 =	stileid.u32  }
0x4: {  	s7 =	simm.s32 $0x1;
	s8 =	simm.s32 $0x1;
	s6 =	simm.s32 $0x2  }
0x5: {  	s9 =	simm.s32 $0x3;
	s10 =	simm.s32 $0x0;
	s13 =	simm.s32 $0x0  }
.Ltmp0:
0x6: {  	s12 =	simm.s32 $0x0;
	p0 =	slt.u32 s1, $0xA;
	(pc) =	sbr.rel .LBB2_1-.Ltmp0, $4  }
0x7: {  	[sflag:s4] =	ssyncpa.u1 $0x0;
	s7 =	simm.s32 @!p0 $0x0;
	p0 =	sne.s32 s1, $0x9  }
0x8: {  	s5 =	smul.u32 $0x30, s1;
	[sflag:s6] =	ssyncpa.u1 $0x0;
	s8 =	simm.s32 @!p0 $0x0  }
0x9: {  	s3 =	sadd.s32 $0x200, s2;
	[sflag:s9] =	ssyncpa.u1 $0x0;
	s7 =	sadd.s32 s8, s7  }
0xa: {  	vm0 =	vmmov $0xffff;
	s11 =	smov.u32 s5;
	s8 =	sadd.s32 $0x13B200, s2;
	s9 =	sadd.s32 $0x1, s7  }
.LBB2_4:
0xb: {  	v3 =	vmul.u32 $0x13A00, v3;
	v4 =	vshll.u32 v1, $0x2  }
0xc: {  	v2 =	vshll.u32 v2, $0x7;
	v4 =	vand.u32 $0xFFFFFE00, v4  }
0xd: {  	v2 =	vand.u32 $0x180, v2;
	v3 =	vadd.s32 v3, v4  }
0xe: {  	v63 =	vand.u32 $0x7F, v1;
	v2 =	vor.u32 v2, v3  }
0xf: {  	v1 =	vor.u32 v63, v2;
	_ =	sdelay $0x2  }
0x10: {  	[tilespmem:s15], [sflag:$0x1] =	stream.indirect_vreg.gather [hbm4b:s3+s10], $0x1, v0, vm0, $0x4038;
	[tilespmem:$0xC0] =	vst v63  }
0x11: {  	(ifvalue) =	ssetifvalue $0x7FFFFFFF;
	s29 =	sadd.s32 $0x10, s15  }
0x12: {  	[tilespmem:s29], [sflag:$0x1] =	stream.indirect_vreg.gather [hbm4b:s3+s10], $0x1, v1, vm0, $0x4038;
	[tilespmem:$0xC0] =	vst v63  }
0x13: {  	_ =	swait.ge [sflag:s4], $0x30  }
0x14: {  	s30 =	sshrl.u32 s13, $0x3;
	[sflag:s4] =	ssyncset.done $0x0  }
0x15: {  	s31 =	sand.u32 $0x7, s13;
	s15 =	sadd.s32 s8, s30;
	[sflag:s4] =	ssyncadd.s32 $0xFFFFFFD0  }
0x16: {  	[hbm4b:s15+s31] =	stream.linear.scatter [tilespmem:s14], [sflag:$0x3], $0x30, $0x38;
	[tilespmem:$0xC0] =	vst v63  }
.LBB2_5:
0x17: {  	s15 =	sadd.s32 $0x300, s11  }
0x18: {  	p1 =	sgt.s32 s15, $0x4AF  }
0x19: {  	s15 =	smov.u32 @p1 s5;
	p1 =	sne.s32 s12, s9  }
.Ltmp1:
0x1a: {  	p0 =	slt.u32 s12, $0x2;
	(pc) =	sbr.rel @!p1 .LBB2_6-.Ltmp1, $4  }
0x1b: {  	s14 =	simm.s32 @!p0 $0x3  }
0x1c: {  	_ =	swait.ge @!p0 [sflag:s14], $0x30  }
0x1d: {  	s16 =	sadd.s32 $0x1, s12;
	s13 =	smov.u32 s11;
	[sflag:s14] =	ssyncset.done @!p0 $0x0  }
0x1e: {  	s12 =	smov.u32 s16;
	s11 =	smov.u32 s15;
	[sflag:s14] =	ssyncadd.s32 @!p0 $0xFFFFFFD0  }
.LBB2_1:
0x1f: {  	p0 =	sge.u32 s12, s7  }
0x20: {  	s14 =	sxor.u32 @!p0 $0x1, s12  }
0x21: {  	s14 =	smul.u32 @!p0 $0xC0, s14  }
0x22: {  	s31 =	sadd.s32 $0xFFFFFFFF, s12;
	s15 =	sshrl.u32 @!p0 s11, $0x3  }
0x23: {  	s16 =	sand.u32 @!p0 $0x7, s11;
	s15 =	sadd.s32 @!p0 s2, s15;
	s14 =	sshra.s32 @!p0 s14, $0x2  }
0x24: {  	[tilespmem:s14], [sflag:$0x2] =	stream.linear.gather @!p0 [hbm4b:s15+s16], $0x30, $0x38;
	[tilespmem:$0xC0] =	vst v63  }
0x25: {  	p0 =	sge.u32 s31, s7  }
.Ltmp2:
0x26: {  	_ = 	snop;
	(pc) =	sbr.rel @p0 .LBB2_5-.Ltmp2, $1  }
0x27: {  	_ =	sdelay $0x3  }
0x28: {  	s14 =	sand.u32 $0x1, s12  }
0x29: {  	_ =	swait.ge [sflag:s6], $0x30;
	p0 =	seq.s32 s14, $0x1;
	s14 =	simm.s32 $0x30  }
0x2a: {  	[sflag:s6] =	ssyncset.done $0x0;
	s14 =	simm.s32 @!p0 $0x0  }
0x2b: {  	[sflag:s6] =	ssyncadd.s32 $0xFFFFFFD0;
	(ifvalue) =	ssetifvalue $0x7FFFFFFF;
	v0 =	vld.msk [tilespmem:s14+$0x0 ss:$0x1], $0xffff;
	_ =	sdelay $0x4  }
0x2c: {  	vm1 =	veq.s32 v0, $0x80000000;
	v1 =	vand.u32 $0x3, v0;
	v0 =	vshrl.u32 v0, $0x2  }
0x2d: {  	v1 =	vsel vm1, $0xFFFFFFFF, v1;
	v0 =	vand.u32 $0x7FFF, v0  }
0x2e: {  	v0 =	vsel vm1, $0xFFFFFFFF, v0;
	v2 =	vshrl.u32 v1, $0x2  }
0x2f: {  	s15 =	sadd.s32 $0x10, s14;
	v2 =	vmul.u32 $0x13A00, v2;
	v4 =	vshll.u32 v0, $0x2  }
0x30: {  	v3 =	vld.msk [tilespmem:s15+$0x0 ss:$0x1], $0xffff;
	v1 =	vshll.u32 v1, $0x7;
	v4 =	vand.u32 $0xFFFFFE00, v4  }
0x31: {  	v1 =	vand.u32 $0x180, v1;
	v2 =	vadd.s32 v2, v4  }
0x32: {  	v0 =	vand.u32 $0x7F, v0;
	v1 =	vor.u32 v1, v2  }
0x33: {  	v0 =	vor.u32 v0, v1;
	_ =	sdelay $0x1  }
0x34: {  	vm1 =	veq.s32 v3, $0x80000000;
	v2 =	vand.u32 $0x3, v3;
	v3 =	vshrl.u32 v3, $0x2  }
0x35: {  	s16 =	simm.s32 $0x10;
	s14 =	sadd.s32 $0x60, s14;
	v2 =	vsel vm1, $0xFFFFFFFF, v2;
	v3 =	vand.u32 $0x7FFF, v3  }
0x36: {  	s17 =	sadd.s32 $0x10, s15;
	(ifvalue) =	ssetifvalue $0x7FFFFFFF;
	s15 =	smov.u32 s14;
	v1 =	vsel vm1, $0xFFFFFFFF, v3;
	v3 =	vshrl.u32 v2, $0x2  }
.LBB2_3:
0x37: {  	v4 =	vld.msk [tilespmem:s17+$0x0 ss:$0x1], $0xffff;
	v3 =	vmul.u32 $0x13A00, v3;
	v5 =	vshll.u32 v1, $0x2;
	[tilespmem:s15], [sflag:$0x1] =	stream.indirect_vreg.gather [hbm4b:s3+s10], $0x1, v0, vm0, $0x4038  }
0x38: {  	s16 =	sadd.s32 $0x10, s16;
	v2 =	vshll.u32 v2, $0x7;
	v0 =	vand.u32 $0xFFFFFE00, v5  }
0x39: {  	p0 =	slt.u32 s16, $0x20;
	v2 =	vand.u32 $0x180, v2;
	v0 =	vadd.s32 v3, v0  }
0x3a: {  	v1 =	vand.u32 $0x7F, v1;
	v0 =	vor.u32 v2, v0  }
.Ltmp3:
0x3b: {  	v0 =	vor.u32 v1, v0;
	(pc) =	sbr.rel @p0 .LBB2_3-.Ltmp3, $4  }
0x3c: {  	_ = 	snop  }
0x3d: {  	vm1 =	veq.s32 v4, $0x80000000;
	v1 =	vand.u32 $0x3, v4;
	v3 =	vshrl.u32 v4, $0x2  }
0x3e: {  	v2 =	vsel vm1, $0xFFFFFFFF, v1;
	v1 =	vand.u32 $0x7FFF, v3  }
0x3f: {  	s17 =	sadd.s32 $0x10, s17;
	s15 =	sadd.s32 $0x10, s15;
	v1 =	vsel vm1, $0xFFFFFFFF, v1;
	v3 =	vshrl.u32 v2, $0x2;
	(ifvalue) =	ssetifvalue $0x7FFFFFFF  }
.Ltmp4:
0x40: {  	_ = 	snop;
	(pc) =	sbr.rel .LBB2_4-.Ltmp4, $1  }
0x41: {  	_ =	sdelay $0x3  }
.LBB2_6:
0x42: {  	_ =	sfence.sel $0x180000  }
0x43: {  	s2 =	simm.s32 $0x2;
	[bflag:$0x0] =	sbarrier.arrive $0xFFFF  }
0x44: {  	s30 =	simm.s32 $0x3;
	[sflag:s2] =	ssyncpa.u1 $0x1  }
0x45: {  	s31 =	simm.s32 $0x1;
	[sflag:s30] =	ssyncpa.u1 $0x1  }
0x46: {  	[sflag:s31] =	ssyncpa.u1 $0x1  }
0x47: {  	p0 =	sne.s32 s1, $0x0;
	_ =	strace $0x90000047  }
0x48: {  	s0 =	sadd.s32 @!p0 $0x100000, s0;
	[bflag:$0x2] =	sbarrier.arrive $0xFFFF  }
0x49: {  	[sflag:s0] =	ssyncadd.tile.s32 @!p0 $0x1;
	_ =	shalt  }
.Lfunc_end2:
_tile_overlayer_lowered:
.L_overlay_start_2:
0x4a: {  	(tag) =	ssettag $0x2  }
0x4b: {  	s0 =	rddreg [dreg:$0x0];
	s2 =	stileid.u32  }
0x4c: {  	s1 =	rddreg [dreg:$0x1];
	p0 =	sne.s32 s2, $0x0  }
0x4d: {  	s3 =	rddreg [dreg:$0x2];
	[bflag:$0x3] =	sbarrier.arrive $0xFFFF;
	s2 =	simm.s32 @!p0 $0x1C01  }
0x4e: {  	[timem:s3], [sflag:s2] =	dma.local @!p0 [hbm:s0], s1  }
0x4f: {  	s0 =	simm.s32 @!p0 $0x1  }
0x50: {  	_ =	swait.ge @!p0 [sflag:s0], s1  }
0x51: {  	s1 =	ssub.s32 @!p0 $0x0, s1;
	[sflag:s0] =	ssyncset.done @!p0 $0x0  }
0x52: {  	[sflag:s0] =	ssyncadd.s32 @!p0 s1  }
0x53: {  	[bflag:$0x3] =	sbarrier.arrive $0xFFFF  }
0x54: {  	_ =	shalt  }

// kernel: gather_offload_async_start
scs
__scs_entry_jumppad:
0x0: {  	(pc) =	sbr.rel $0x88, $3  }
0x1: {  	(tag) =	ssettag $0x0;
	lr =	simm.s32 $0x1  }
0x2: {  	[smem:$0x3F9F] =	sst lr;
	_ =	strace $0xD0000000  }
0x3: {  	_ = 	snop  }
0x4: {  	_ = 	snop  }
0x5: {  	_ = 	snop  }
0x6: {  	_ = 	snop  }
0x7: {  	_ = 	snop  }
__scs_overlays_trampoline_lowered:
0x8: {  	[smem:$0x3FAE] =	sst s0  }
0x9: {  	[smem:$0x3FAF] =	sst s1  }
0xa: {  	[smem:$0x3FB0] =	sst s2  }
0xb: {  	[smem:$0x3FB1] =	sst s3  }
0xc: {  	[smem:$0x3FB2] =	sst s4  }
0xd: {  	[smem:$0x3FB3] =	sst s5  }
0xe: {  	[smem:$0x3FB4] =	sst s6  }
0xf: {  	[smem:$0x3FB5] =	sst s7  }
0x10: {  	[smem:$0x3FB6] =	sst s8  }
0x11: {  	[smem:$0x3FB7] =	sst s9;
	s0 =	simm.s32 @!p0 $0x0  }
0x12: {  	s1 =	sld [smem:$0x3F9D];
	s0 =	simm.s32 @p0 $0x1  }
0x13: {  	[smem:$0x3FB8] =	sst s0;
	s0 =	simm.s32 @!p1 $0x0  }
0x14: {  	s2 =	sld [smem:$0x3F9C];
	s0 =	simm.s32 @p1 $0x1  }
0x15: {  	[smem:$0x3FB9] =	sst s0;
	s0 =	simm.s32 @!p2 $0x0  }
0x16: {  	s3 =	sld [smem:$0x3FDB];
	s0 =	simm.s32 @p2 $0x1  }
0x17: {  	s4 =	simm.s32 $0x1BF5;
	[smem:$0x3FBB] =	sst s0  }
0x18: {  	s0 =	sld [smem:$0x3F9E];
	_ =	swait.ge [sflag:s4], $0x0  }
0x19: {  	s7 =	sld [smem:$0x3F9F]  }
0x1a: {  	s8 =	sadd.s32 $0xFFFFE003, lr  }
0x1b: {  	s9 =	sadd.s32 $0xFFFFFEF7, lr;
	s5 =	simm.s32 $0xFFFFFFFF;
	p2 =	slt.u32 s8, $0xFFFFF086  }
0x1c: {  	p1 =	slt.u32 s9, $0xF7A;
	s5 =	simm.s32 @!p2 $0x0  }
0x1d: {  	s5 =	simm.s32 @p1 $0x1;
	p0 =	seq.s32 s7, s2  }
0x1e: {  	s7 =	smul.u32 @!p0 $0xF7A, s2;
	p2 =	seq.s32 @!p0 s5, $0x0  }
0x1f: {  	s9 =	smul.u32 $0xF7A, s1;
	s8 =	simm.s32 @!p0 $0x1BF5;
	p2 =	por !p2, p0  }
0x20: {  	[sflag:s8] =	ssyncset.s32 @!p0 $0xFFFFF086;
	s6 =	sadd.s32 @!p0 s3, s7;
	s7 =	simm.s32 @!p0 $0x108  }
0x21: {  	s3 =	sadd.s32 s3, s9;
	s6 =	sadd.s32 @!p0 $0x88, s6;
	s7 =	simm.s32 @p2 $0x1082  }
0x22: {  	[simem:s7], [sflag:s8] =	dma.local @!p0 [hbm:s6], $0xF7A  }
0x23: {  	s9 =	sor.u32 $0xD0000000, s2;
	s6 =	simm.s32 $0x108;
	_ =	swait.ge @!p0 [sflag:s8], $0x0  }
0x24: {  	s3 =	sadd.s32 $0x88, s3;
	s6 =	simm.s32 @!p1 $0x1082;
	[sflag:s4] =	ssyncset.s32 $0xFFFFF086  }
0x25: {  	[simem:s6], [sflag:s4] =	dma.local [hbm:s3], $0xF7A  }
0x26: {  	[smem:$0x3F9F] =	sst s1;
	(tag) =	ssettag s2;
	_ =	strace s9  }
0x27: {  	s1 =	sld [smem:$0x3FAF]  }
0x28: {  	s2 =	sld [smem:$0x3FB0]  }
0x29: {  	s4 =	sld [smem:$0x3FB2]  }
0x2a: {  	p0 =	seq.s32 s5, $0x0;
	s5 =	sld [smem:$0x3FB3]  }
0x2b: {  	s6 =	sld [smem:$0x3FB4]  }
0x2c: {  	s7 =	sld [smem:$0x3FB5]  }
0x2d: {  	s3 =	simm.s32 $0x108;
	s8 =	sld [smem:$0x3FB6]  }
0x2e: {  	s3 =	simm.s32 @!p0 $0x1082;
	s9 =	sld [smem:$0x3FB7]  }
0x2f: {  	lr =	sadd.s32 s0, s3;
	s0 =	sld [smem:$0x3FAE]  }
0x30: {  	s3 =	sld [smem:$0x3FB1]  }
0x31: {  	[smem:$0x3FBA] =	sst s10  }
0x32: {  	s10 =	sld [smem:$0x3FB8];
	_ =	sdelay $0x3  }
0x33: {  	p0 =	seq.s32 s10, $0x1;
	s10 =	sld [smem:$0x3FBA];
	_ =	sdelay $0x3  }
0x34: {  	[smem:$0x3FBA] =	sst s10  }
0x35: {  	s10 =	sld [smem:$0x3FB9];
	_ =	sdelay $0x3  }
0x36: {  	p1 =	seq.s32 s10, $0x1;
	s10 =	sld [smem:$0x3FBA];
	_ =	sdelay $0x3  }
0x37: {  	[smem:$0x3FBA] =	sst s10  }
0x38: {  	s10 =	sld [smem:$0x3FBB]  }
0x39: {  	_ = 	snop;
	(pc) =	sbr.ind lr, $3  }
0x3a: {  	_ = 	snop  }
0x3b: {  	_ = 	snop  }
0x3c: {  	p2 =	seq.s32 s10, $0x1;
	s10 =	sld [smem:$0x3FBA]  }
0x3d: {  	_ =	shalt  }
0x3e: {  	_ =	shalt  }
0x3f: {  	_ =	shalt  }
0x40: {  	_ =	shalt  }
0x41: {  	_ =	shalt  }
0x42: {  	_ =	shalt  }
0x43: {  	_ =	shalt  }
0x44: {  	_ =	shalt  }
0x45: {  	_ =	shalt  }
0x46: {  	_ =	shalt  }
0x47: {  	_ =	shalt  }
0x48: {  	_ =	shalt  }
0x49: {  	_ =	shalt  }
0x4a: {  	_ =	shalt  }
0x4b: {  	_ =	shalt  }
0x4c: {  	_ =	shalt  }
0x4d: {  	_ =	shalt  }
0x4e: {  	_ =	shalt  }
0x4f: {  	_ =	shalt  }
0x50: {  	_ =	shalt  }
0x51: {  	_ =	shalt  }
0x52: {  	_ =	shalt  }
0x53: {  	_ =	shalt  }
0x54: {  	_ =	shalt  }
0x55: {  	_ =	shalt  }
0x56: {  	_ =	shalt  }
0x57: {  	_ =	shalt  }
0x58: {  	_ =	shalt  }
0x59: {  	_ =	shalt  }
0x5a: {  	_ =	shalt  }
0x5b: {  	_ =	shalt  }
0x5c: {  	_ =	shalt  }
0x5d: {  	_ =	shalt  }
0x5e: {  	_ =	shalt  }
0x5f: {  	_ =	shalt  }
0x60: {  	_ =	shalt  }
0x61: {  	_ =	shalt  }
0x62: {  	_ =	shalt  }
0x63: {  	_ =	shalt  }
0x64: {  	_ =	shalt  }
0x65: {  	_ =	shalt  }
0x66: {  	_ =	shalt  }
0x67: {  	_ =	shalt  }
0x68: {  	_ =	shalt  }
0x69: {  	_ =	shalt  }
0x6a: {  	_ =	shalt  }
0x6b: {  	_ =	shalt  }
0x6c: {  	_ =	shalt  }
0x6d: {  	_ =	shalt  }
0x6e: {  	_ =	shalt  }
0x6f: {  	_ =	shalt  }
0x70: {  	_ =	shalt  }
0x71: {  	_ =	shalt  }
0x72: {  	_ =	shalt  }
0x73: {  	_ =	shalt  }
0x74: {  	_ =	shalt  }
0x75: {  	_ =	shalt  }
0x76: {  	_ =	shalt  }
0x77: {  	_ =	shalt  }
0x78: {  	_ =	shalt  }
0x79: {  	_ =	shalt  }
0x7a: {  	_ =	shalt  }
0x7b: {  	_ =	shalt  }
0x7c: {  	_ =	shalt  }
0x7d: {  	_ =	shalt  }
0x7e: {  	_ =	shalt  }
0x7f: {  	_ =	shalt  }
0x80: {  	_ =	shalt  }
0x81: {  	_ =	shalt  }
0x82: {  	_ =	shalt  }
0x83: {  	_ =	shalt  }
0x84: {  	_ =	shalt  }
0x85: {  	_ =	shalt  }
0x86: {  	_ =	shalt  }
0x87: {  	_ =	shalt  }
.Lfunc_end0:
.L_simem_size_0:
called_computation_lowered:
.L_overlay_start_0:
0x88: {  	s0 =	sld [smem:$0x3FD9]  }
0x89: {  	s1 =	sld [smem:$0x3FFE];
	_ =	sdelay $0x3  }
0x8a: {  	s0 =	sadd.s32 s1, s0  }
0x8b: {  	[smem:$0x3FC6] =	sst s0  }
0x8c: {  	_ = 	snop  }
0x8d: {  	(tm) =	ssettm $0x1  }
0x8e: {  	s15 =	sld [smem:$0x3FFB];
	_ =	sdelay $0x3  }
0x8f: {  	_ =	strace s15  }
0x90: {  	s0 =	sld [smem:$0x3FFC];
	_ =	sdelay $0x3  }
0x91: {  	_ =	strace s0  }
0x92: {  	s0 =	sld [smem:$0x3FFD];
	_ =	sdelay $0x3  }
0x93: {  	_ =	strace s0  }
0x94: {  	_ =	strace $0x8FFFFFFF  }
0x95: {  	s16 =	sld [smem:$0x3FDB];
	_ =	sdelay $0x1  }
0x96: {  	s17 =	simm.s32 $_scs_section_size  }
0x97: {  	s2 =	simm.s32 $_size__tile_overlayer_lowered;
	s3 =	simm.s32 $_tile_overlayer_lowered  }
0x98: {  	s20 =	simm.s32 $0x1BFF;
	s19 =	sshll.u32 s3, $0x1;
	s0 =	sadd.s32 s17, s16  }
0x99: {  	s4 =	simm.s32 $0x0;
	s18 =	sshll.u32 s2, $0x1;
	s2 =	sadd.s32 s19, s0  }
0x9a: {  	[timem:s4], [sflag:s20] =	dma.local [hbm:s2], s18  }
0x9b: {  	_ =	swait.ge [sflag:s20], s18  }
0x9c: {  	s1 =	ssub.s32 $0x0, s18;
	[sflag:s20] =	ssyncset.done $0x0  }
0x9d: {  	[sflag:s20] =	ssyncadd.s32 s1;
	_ =	sdelay $0x1  }
0x9e: {  	s21 =	simm.s32 $0x1B8B  }
0x9f: {  	_ =	swait.ge [sflag:s21], $0x1  }
0xa0: {  	[sflag:s21] =	ssyncset.done $0x0  }
0xa1: {  	s23 =	simm.s32 $0x1B8E;
	s22 =	sld [smem:$0x3FFE];
	[sflag:s21] =	ssyncadd.s32 $0xFFFFFFFF  }
0xa2: {  	s24 =	simm.s32 $execute0_lowered;
	[smem:$0x3FD2] =	sst s23  }
0xa3: {  	s2 =	sshll.u32 s24, $0x1;
	_ =	strace $0x80000052;
	[dreg:$0x1] =	wrdreg $0xFFFFFFFF  }
0xa4: {  	s25 =	simm.s32 $_size_execute0_lowered;
	s0 =	sadd.s32 s0, s2;
	[dreg:$0x0] =	wrdreg $0x0  }
0xa5: {  	s2 =	sshll.u32 s25, $0x1;
	[dreg:$0x2] =	wrdreg s0  }
0xa6: {  	[dreg:$0x3] =	wrdreg s2  }
0xa7: {  	[dreg:$0x4] =	wrdreg $0xC0  }
0xa8: {  	_ =	task [dreg:s4], $0x5FFFF  }
0xa9: {  	[dreg:$0x1] =	wrdreg $0xFFFFFFFF  }
0xaa: {  	[dreg:$0x0] =	wrdreg $0x60  }
0xab: {  	[dreg:$0x2] =	wrdreg s22  }
0xac: {  	[dreg:$0x3] =	wrdreg $0x9  }
0xad: {  	_ =	task.clear_ibuf [dreg:s4], $0x4FFFF;
	_ =	strace $0x90000052  }
0xae: {  	s26 =	simm.s32 $0x9;
	_ =	strace $0x80000054  }
0xaf: {  	_ =	swait.ge [sflag:s26], $0x1  }
0xb0: {  	[sflag:s26] =	ssyncadd.s32 $0xFFFFFFFF  }
0xb1: {  	_ =	strace $0x90000054  }
0xb2: {  	_ =	sfence  }
0xb3: {  	s28 =	sld [smem:$0x0];
	_ =	sdelay $0x1  }
0xb4: {  	s29 =	srdreg.scid  }
0xb5: {  	s30 =	sshll.u32 s29, $0xD;
	s31 =	sshrl.u32 s29, $0x2  }
0xb6: {  	s1 =	sand.u32 $0x1, s29;
	s2 =	sand.u32 $0x4000, s30;
	s0 =	sadd.s32 s31, s28  }
0xb7: {  	s1 =	sor.u32 s2, s1;
	s0 =	sshll.u32 s0, $0x11  }
0xb8: {  	s0 =	sor.u32 s0, s1  }
0xb9: {  	s0 =	sadd.s32 $0x8F2B, s0  }
0xba: {  	[sflag:s0] =	ssyncadd.remote.s32 $0x1  }
0xbb: {  	_ =	sfence.sel $0xFFFF  }
0xbc: {  	[dreg:$0x0] =	wrdreg $0xFFFFFFFF;
	(pc) =	sbr.abs _section_cstart, $3  }
0xbd: {  	[dreg:$0x1] =	wrdreg $0xFFFFFFFF  }
0xbe: {  	_ =	task.clear_ibuf [dreg:s4], $0x2FFFF;
	_ =	strace $0x9FFFFFFF  }
0xbf: {  	(tm) =	ssettm $0x7FFFFFFF  }
tec
execute0_lowered:
.L_overlay_start_1:
0x0: {  	(tag) =	ssettag $0x1  }
0x1: {  	s0 =	stileid.u32  }
0x2: {  	s1 =	smin.u32 s0, $0xE  }
0x3: {  	s1 =	sadd.s32 s0, s1  }
0x4: {  	p0 =	slt.u32 s0, $0xE;
	s2 =	smul.u32 $0x28, s1;
	s1 =	simm.s32 $0x50  }
0x5: {  	s1 =	simm.s32 @!p0 $0x28  }
0x6: {  	s1 =	sadd.s32 s1, s2  }
0x7: {  	s3 =	smin.u32 s1, $0x4B0  }
0x8: {  	s7 =	ssub.s32 s3, s2  }
0x9: {  	p0 =	sgt.s32 s7, $0x0  }
0xa: {  	s7 =	simm.s32 @!p0 $0x0  }
0xb: {  	s31 =	smul.u32 $0xCCCD, s7  }
0xc: {  	s4 =	rddreg [dreg:$0x0];
	s6 =	simm.s32 $0x1  }
0xd: {  	s10 =	simm.s32 $0x3;
	s13 =	simm.s32 $0x0;
	s8 =	sshrl.u32 s31, $0x15  }
0xe: {  	s12 =	simm.s32 $0x0;
	s5 =	sadd.s32 $0x600, s4;
	s9 =	smul.u32 $0x28, s8  }
.Ltmp0:
0xf: {  	s11 =	smov.u32 s2;
	s1 =	rddreg [dreg:$0x1];
	(pc) =	sbr.rel .LBB2_1-.Ltmp0, $4  }
0x10: {  	_ =	strace $0x80000053;
	p0 =	sne.s32 s7, s9;
	s9 =	simm.s32 $0x1  }
0x11: {  	[sflag:s6] =	ssyncpa.u1 $0x0;
	s7 =	simm.s32 $0x2;
	s9 =	simm.s32 @!p0 $0x0  }
0x12: {  	[sflag:s7] =	ssyncpa.u1 $0x0;
	p0 =	por $0x0, $0x0;
	s8 =	sadd.s32 s8, s9  }
0x13: {  	vm0 =	vmmov $0xff;
	vm1 =	vcmask $0x3F20;
	s9 =	sadd.s32 $0x5600, s4;
	[sflag:s10] =	ssyncpa.u1 $0x0;
	s10 =	sadd.s32 $0x1, s8  }
.LBB2_6:
0x14: {  	[hbm:s17] =	stream.linear.scatter [tilespmem:s14], [sflag:$0x3], $0x400, $0x38;
	[tilespmem:$0x2850] =	vst v63  }
.LBB2_7:
0x15: {  	s13 =	sadd.s32 $0x28, s11  }
0x16: {  	s15 =	smov.u32 s2;
	p2 =	slt.s32 s13, s3  }
0x17: {  	s15 =	smov.u32 @p2 s13;
	p2 =	sne.s32 s12, s10  }
.Ltmp1:
0x18: {  	p1 =	slt.u32 s12, $0x2;
	(pc) =	sbr.rel @!p2 .LBB2_8-.Ltmp1, $4  }
0x19: {  	s14 =	simm.s32 @!p1 $0x3  }
0x1a: {  	s16 =	sadd.s32 $0x1, s12;
	_ =	swait.ge @!p1 [sflag:s14], $0x1400  }
0x1b: {  	p0 =	por !p0, !p0;
	s13 =	smov.u32 s11;
	[sflag:s14] =	ssyncset.done @!p1 $0x0  }
0x1c: {  	s12 =	smov.u32 s16;
	s11 =	smov.u32 s15;
	[sflag:s14] =	ssyncadd.s32 @!p1 $0xFFFFEC00  }
.LBB2_1:
0x1d: {  	p1 =	sge.u32 s12, s8  }
0x1e: {  	s14 =	sxor.u32 @!p1 $0xFFFFFFFF, s12  }
0x1f: {  	s14 =	sand.u32 @!p1 $0x1, s14  }
0x20: {  	s14 =	smul.u32 @!p1 $0xA0, s14  }
0x21: {  	s31 =	sadd.s32 $0xFFFFFFFF, s12;
	s15 =	sshrl.u32 @!p1 s11, $0x3  }
0x22: {  	s16 =	sand.u32 @!p1 $0x7, s11;
	s15 =	sadd.s32 @!p1 s4, s15;
	s14 =	sshrl.u32 @!p1 s14, $0x2  }
0x23: {  	[tilespmem:s14], [sflag:$0x2] =	stream.linear.gather @!p1 [hbm4b:s15+s16], $0x28, $0x38;
	[tilespmem:$0x2850] =	vst v63  }
0x24: {  	p1 =	sge.u32 s31, s8  }
.Ltmp2:
0x25: {  	_ = 	snop;
	(pc) =	sbr.rel @p1 .LBB2_7-.Ltmp2, $1  }
0x26: {  	_ =	sdelay $0x3  }
0x27: {  	s15 =	sand.u32 $0x1, s12  }
0x28: {  	s14 =	simm.s32 $0x1;
	s16 =	smul.u32 $0xA0, s15  }
0x29: {  	s14 =	simm.s32 @!p0 $0x0;
	s15 =	smul.u32 $0x5000, s15  }
0x2a: {  	_ =	swait.ge [sflag:s7], $0x28;
	s14 =	smul.u32 $0x5000, s14  }
0x2b: {  	s18 =	simm.s32 $0x0;
	p1 =	por $0x1, $0x1;
	[sflag:s7] =	ssyncset.done $0x0  }
0x2c: {  	[sflag:s7] =	ssyncadd.s32 $0xFFFFFFD8;
	s15 =	sshrl.u32 s15, $0x2;
	s14 =	sshrl.u32 s14, $0x2  }
0x2d: {  	s16 =	sshrl.u32 s16, $0x2;
	s17 =	sor.u32 $0x50, s15;
	s14 =	sor.u32 $0x50, s14  }
.LBB2_3:
0x2e: {  	s19 =	sshll.u32 s18, $0x4  }
0x2f: {  	s19 =	sand.u32 $0x3FFFFFF0, s19  }
0x30: {  	s19 =	sadd.s32 s19, s16  }
0x31: {  	v0 =	vld.msk [tilespmem:s19+$0x0 ss:$0x1], $0xffff;
	_ =	sdelay $0x4  }
0x32: {  	vm2 =	vgt.s32 v0, $0x0  }
0x33: {  	v0 =	vnsel vm2, $0x0, v0  }
0x34: {  	v0 =	vmin.u32 v0, $0x4AF  }
0x35: {  	v0 =	vshll.u32 v0, $0x4;
	_ =	sdelay $0x1  }
0x36: {  	s31 =	sshll.u32 s18, $0xB  }
0x37: {  	p2 =	por p1, p1;
	s18 =	sand.u32 $0x3FFFF800, s31  }
.Ltmp3:
0x38: {  	s18 =	sadd.s32 s18, s17;
	(pc) =	sbr.rel @p2 .LBB2_3-.Ltmp3, $4  }
0x39: {  	[tilespmem:s18], [sflag:$0x1] =	stream.indirect_vreg.gather [hbm:s5], $0x80, v0, vm0, $0x38;
	[tilespmem:$0x2850] =	vst v63  }
0x3a: {  	s18 =	sadd.s32 $0x400, s18  }
0x3b: {  	[tilespmem:s18], [sflag:$0x1] =	stream.indirect_vreg.gather [hbm:s5], $0x80, v0, vm1, $0x38;
	[tilespmem:$0x2850] =	vst v63  }
0x3c: {  	p1 =	por $0x0, $0x0;
	s18 =	simm.s32 $0x1  }
0x3d: {  	v0 =	vld.msk [tilespmem:s16+$0x20 ss:$0x1], $0xff;
	_ =	sdelay $0x4  }
0x3e: {  	vm2 =	vgt.s32 v0, $0x0  }
0x3f: {  	v0 =	vnsel vm2, $0x0, v0  }
0x40: {  	v0 =	vmin.u32 v0, $0x4AF  }
0x41: {  	v0 =	vshll.u32 v0, $0x4;
	_ =	sdelay $0x3  }
0x42: {  	s15 =	sadd.s32 $0x1050, s15  }
0x43: {  	[tilespmem:s15], [sflag:$0x1] =	stream.indirect_vreg.gather [hbm:s5], $0x80, v0, vm0, $0x38;
	[tilespmem:$0x2850] =	vst v63  }
0x44: {  	s13 =	sshll.u32 s13, $0x4;
	_ =	swait.ge [sflag:s6], $0x1400  }
0x45: {  	s16 =	sadd.s32 $0x400, s14;
	s13 =	sadd.s32 s13, s9;
	[sflag:s6] =	ssyncset.done $0x0  }
0x46: {  	s17 =	sadd.s32 $0x0, s13;
	s15 =	simm.s32 $0x80;
	[sflag:s6] =	ssyncadd.s32 $0xFFFFEC00  }
.LBB2_5:
0x47: {  	[hbm:s17] =	stream.linear.scatter [tilespmem:s14], [sflag:$0x3], $0x400, $0x38;
	[tilespmem:$0x2850] =	vst v63  }
0x48: {  	s17 =	smov.u32 s15;
	s14 =	smov.u32 s16;
	p1 =	sne.s32 s15, $0x200  }
.Ltmp4:
0x49: {  	s15 =	sadd.s32 $0x80, s15;
	(pc) =	sbr.rel @p1 .LBB2_5-.Ltmp4, $2  }
0x4a: {  	_ =	sdelay $0x2  }
0x4b: {  	s16 =	sadd.s32 $0x400, s16;
	s17 =	sadd.s32 s17, s13  }
.Ltmp5:
0x4c: {  	_ = 	snop;
	(pc) =	sbr.rel .LBB2_6-.Ltmp5, $1  }
0x4d: {  	_ =	sdelay $0x3  }
.LBB2_8:
0x4e: {  	_ =	sfence.sel $0x180000  }
0x4f: {  	s2 =	simm.s32 $0x2;
	[bflag:$0x0] =	sbarrier.arrive $0xFFFF  }
0x50: {  	s30 =	simm.s32 $0x3;
	[sflag:s2] =	ssyncpa.u1 $0x1  }
0x51: {  	s31 =	simm.s32 $0x1;
	[sflag:s30] =	ssyncpa.u1 $0x1  }
0x52: {  	[sflag:s31] =	ssyncpa.u1 $0x1  }
0x53: {  	p0 =	sne.s32 s0, $0x0;
	_ =	strace $0x90000053  }
0x54: {  	s0 =	sadd.s32 @!p0 $0x100000, s1;
	[bflag:$0x2] =	sbarrier.arrive $0xFFFF  }
0x55: {  	[sflag:s0] =	ssyncadd.tile.s32 @!p0 $0x1;
	_ =	shalt  }
.Lfunc_end2:
_tile_overlayer_lowered:
.L_overlay_start_2:
0x56: {  	(tag) =	ssettag $0x2  }
0x57: {  	s0 =	rddreg [dreg:$0x0];
	s2 =	stileid.u32  }
0x58: {  	s1 =	rddreg [dreg:$0x1];
	p0 =	sne.s32 s2, $0x0  }
0x59: {  	s3 =	rddreg [dreg:$0x2];
	[bflag:$0x3] =	sbarrier.arrive $0xFFFF;
	s2 =	simm.s32 @!p0 $0x1C01  }
0x5a: {  	[timem:s3], [sflag:s2] =	dma.local @!p0 [hbm:s0], s1  }
0x5b: {  	s0 =	simm.s32 @!p0 $0x1  }
0x5c: {  	_ =	swait.ge @!p0 [sflag:s0], s1  }
0x5d: {  	s1 =	ssub.s32 @!p0 $0x0, s1;
	[sflag:s0] =	ssyncset.done @!p0 $0x0  }
0x5e: {  	[sflag:s0] =	ssyncadd.s32 @!p0 s1  }
0x5f: {  	[bflag:$0x3] =	sbarrier.arrive $0xFFFF  }
0x60: {  	_ =	shalt  }

</sc_bundles>
